<compile_context>
chip_gen: v7x
topology: tpu7x:2x2x1
jax: 0.10.2.dev20260603
libtpu: 0.0.44.dev20260713+nightly
codegen_flags: <defaults>
</compile_context>

<pallas_src>
import jax
import jax.numpy as jnp
from jax import lax
from jax.experimental import pallas as pl
from jax.experimental.pallas import tpu as pltpu
from jax.experimental.pallas import tpu_sc as plsc

N_NODES = 10000
N_EDGES = 320000
INP_DIM = 128
OUT_DIM = 128
NUM_RELS = 16
NUM_BASES = 4

NSUB = 16
NCORE = 2
NW = NSUB * NCORE
CHUNK = 64
YCOLS = NUM_BASES * OUT_DIM

EPAD = ((N_EDGES + NW * CHUNK - 1) // (NW * CHUNK)) * (NW * CHUNK)
EDGES_PER_TILE = EPAD // NW
NCHUNKS = EDGES_PER_TILE // CHUNK
PAD_ROWS = 112
ACC_ROWS = N_NODES + PAD_ROWS
ROWS_PER_TILE = ACC_ROWS // NSUB


def _mm_body(x_ref, w_ref, y_ref):
    y_ref[...] = jnp.dot(x_ref[...], w_ref[...],
                         preferred_element_type=jnp.float32)


def _basis_project(x, w_cat):
    n = x.shape[0]
    blk = 1000
    return pl.pallas_call(
        _mm_body,
        grid=(n // blk,),
        in_specs=[
            pl.BlockSpec((blk, INP_DIM), lambda i: (i, 0)),
            pl.BlockSpec((INP_DIM, YCOLS), lambda i: (0, 0)),
        ],
        out_specs=pl.BlockSpec((blk, YCOLS), lambda i: (i, 0)),
        out_shape=jax.ShapeDtypeStruct((n, YCOLS), jnp.float32),
    )(x, w_cat)


def _add_body(a_ref, b_ref, o_ref):
    o_ref[...] = a_ref[0] + b_ref[0]


def _combine(part):
    blk = 1000
    return pl.pallas_call(
        _add_body,
        grid=(N_NODES // blk,),
        in_specs=[
            pl.BlockSpec((1, blk, OUT_DIM), lambda i: (0, i, 0)),
            pl.BlockSpec((1, blk, OUT_DIM), lambda i: (1, i, 0)),
        ],
        out_specs=pl.BlockSpec((blk, OUT_DIM), lambda i: (i, 0)),
        out_shape=jax.ShapeDtypeStruct((N_NODES, OUT_DIM), jnp.float32),
    )(part, part)


def _sc_body(yg, srcp, dstp, typp, crep, zeros, part,
             acc, idx_v, dst_v, typ_v, rows_v, msg_v, crow_v):
    c = lax.axis_index("c")
    s = lax.axis_index("s")

    pltpu.sync_copy(zeros.at[pl.ds(s * ROWS_PER_TILE, ROWS_PER_TILE)],
                    acc.at[pl.ds(s * ROWS_PER_TILE, ROWS_PER_TILE)])
    plsc.subcore_barrier()

    wid = c * NSUB + s
    base = wid * EDGES_PER_TILE

    def chunk(k, _):
        off = base + k * CHUNK
        pltpu.sync_copy(srcp.at[pl.ds(off, CHUNK)], idx_v)
        pltpu.sync_copy(dstp.at[pl.ds(off, CHUNK)], dst_v)
        pltpu.sync_copy(typp.at[pl.ds(off, CHUNK)], typ_v)
        pltpu.sync_copy(yg.at[idx_v], rows_v)
        pltpu.sync_copy(crep.at[typ_v], crow_v)

        @plsc.parallel_loop(0, CHUNK, 1, unroll=4)
        def edge(e):
            cb = [crow_v[e, pl.ds(b * 32, 16)] for b in range(4)]
            for k in range(OUT_DIM // 16):
                m = rows_v[e, pl.ds(k * 16, 16)] * cb[0]
                for b in range(1, 4):
                    m = m + rows_v[e, pl.ds(b * OUT_DIM + k * 16, 16)] * cb[b]
                msg_v[e, pl.ds(k * 16, 16)] = m
        pltpu.sync_copy(msg_v, acc.at[dst_v], add=True)
        return 0

    lax.fori_loop(0, NCHUNKS, chunk, 0)
    plsc.subcore_barrier()

    pltpu.sync_copy(acc.at[pl.ds(s * ROWS_PER_TILE, ROWS_PER_TILE)],
                    part.at[c, pl.ds(s * ROWS_PER_TILE, ROWS_PER_TILE)])


def _edge_aggregate(yg, srcp, dstp, typp, crep, zeros):
    mesh = plsc.VectorSubcoreMesh(
        core_axis_name="c", subcore_axis_name="s",
        num_cores=NCORE, num_subcores=NSUB)
    return pl.kernel(
        _sc_body,
        out_type=jax.ShapeDtypeStruct((NCORE, ACC_ROWS, OUT_DIM), jnp.float32),
        mesh=mesh,
        scratch_types=[
            pltpu.VMEM_SHARED((ACC_ROWS, OUT_DIM), jnp.float32),
            pltpu.VMEM((CHUNK,), jnp.int32),
            pltpu.VMEM((CHUNK,), jnp.int32),
            pltpu.VMEM((CHUNK,), jnp.int32),
            pltpu.VMEM((CHUNK, YCOLS), jnp.float32),
            pltpu.VMEM((CHUNK, OUT_DIM), jnp.float32),
            pltpu.VMEM((CHUNK, NUM_BASES * 32), jnp.float32),
        ],
        compiler_params=pltpu.CompilerParams(needs_layout_passes=False),
    )(yg, srcp, dstp, typp, crep, zeros)


def kernel(x, edge_index, edge_type, weight, w_comp):
    src = edge_index[0].astype(jnp.int32)
    dst = edge_index[1].astype(jnp.int32)
    typ = edge_type.astype(jnp.int32)
    pad = EPAD - N_EDGES
    src = jnp.concatenate([src, jnp.zeros((pad,), jnp.int32)])
    dst = jnp.concatenate([dst, jnp.full((pad,), N_NODES, jnp.int32)])
    typ = jnp.concatenate([typ, jnp.zeros((pad,), jnp.int32)])

    w_cat = weight.transpose(1, 0, 2).reshape(INP_DIM, YCOLS)
    zeros = jnp.zeros((ACC_ROWS, OUT_DIM), jnp.float32)

    yg = _basis_project(x, w_cat)

    crep = jnp.repeat(w_comp.astype(jnp.float32), 32, axis=1)
    part = _edge_aggregate(yg, src, dst, typ, crep, zeros)

    return _combine(part)

# --- scband reference (transcript-rebuilt; emitter-appended) ---
"""Pipeline reference for scband-tp-rgcnlayer-44985487458912 (READ-ONLY COPY).

The authoritative reference and input builder live on the scoring server;
editing this copy changes nothing except your own understanding.
"""

import jax, jax.numpy as jnp
import numpy as np

N_NODES = 10000
N_EDGES = 320000
INP_DIM = 128
OUT_DIM = 128
NUM_RELS = 16
NUM_BASES = 4


def setup_inputs(seed: int = 0) -> dict:
    key = jax.random.key(seed)
    k1, k2, k3, k4, k5 = jax.random.split(key, 5)
    x = jax.random.normal(k1, (N_NODES, INP_DIM), dtype=jnp.float32)
    edge_index = jax.random.randint(k2, (2, N_EDGES), 0, N_NODES, dtype=jnp.int64)
    edge_type = jax.random.randint(k3, (N_EDGES,), 0, NUM_RELS, dtype=jnp.int64)
    # learned parameters (xavier-uniform like init)
    gain = np.sqrt(2.0)  # calculate_gain('relu')
    lim_w = gain * np.sqrt(6.0 / (INP_DIM + OUT_DIM))
    weight = jax.random.uniform(k4, (NUM_BASES, INP_DIM, OUT_DIM), dtype=jnp.float32, minval=-lim_w, maxval=lim_w)
    lim_c = gain * np.sqrt(6.0 / (NUM_RELS + NUM_BASES))
    w_comp = jax.random.uniform(k5, (NUM_RELS, NUM_BASES), dtype=jnp.float32, minval=-lim_c, maxval=lim_c)
    return {"x": x, "edge_index": edge_index, "edge_type": edge_type, "weight": weight, "w_comp": w_comp}


def reference(x, edge_index, edge_type, weight, w_comp):
    # Basis decomposition: per-relation weight = w_comp @ bases
    num_bases, inp_dim, out_dim = weight.shape
    w_flat = weight.reshape(num_bases, inp_dim * out_dim)
    rel_weight = jnp.matmul(w_comp, w_flat).reshape(NUM_RELS, inp_dim, out_dim)
    src = edge_index[0]
    dst = edge_index[1]
    # per-edge weight gather by relation type
    w_e = jnp.take(rel_weight, edge_type, axis=0)          # [E, inp, out]
    h_src = jnp.take(x, src, axis=0)                        # [E, inp]
    # edge dropout = 0 -> drop mask is all-ones (Identity)
    drop = jnp.ones((h_src.shape[0], 1), dtype=x.dtype)
    msg = drop * jnp.einsum('ei,eio->eo', h_src, w_e)       # [E, out]
    # sum aggregation at destination nodes
    h = jax.ops.segment_sum(msg, dst, num_segments=N_NODES)  # [N, out]
    # bias=None, activation=None, dropout=None -> node_repr = h
    node_repr = h
    # is_input_layer: g.ndata['repr'] = h.unsqueeze(1); return node features
    return node_repr

if __name__ == "__main__":
    import jax
    _d = setup_inputs()
    print(jax.jit(kernel)(*tuple(_d.values())))

</pallas_src>

<mosaic_0001>
#map = affine_map<(d0, d1) -> (0, 0)>
#map1 = affine_map<(d0, d1) -> (0)>
#map2 = affine_map<(d0, d1) -> (0, 0, 0)>
module attributes {stable_mosaic.version = 14 : i64} {
  func.func @_sc_body(%arg0: i32, %arg1: i32, %arg2: memref<10000x512xf32, #tpu.memory_space<hbm>>, %arg3: memref<321536xi32, #tpu.memory_space<hbm>>, %arg4: memref<321536xi32, #tpu.memory_space<hbm>>, %arg5: memref<321536xi32, #tpu.memory_space<hbm>>, %arg6: memref<16x128xf32, #tpu.memory_space<hbm>>, %arg7: memref<10112x128xf32, #tpu.memory_space<hbm>>, %arg8: memref<2x10112x128xf32, #tpu.memory_space<hbm>>, %arg9: memref<10112x128xf32, #tpu.memory_space<vmem_shared>>, %arg10: memref<64xi32, #tpu.memory_space<vmem>>, %arg11: memref<64xi32, #tpu.memory_space<vmem>>, %arg12: memref<64xi32, #tpu.memory_space<vmem>>, %arg13: memref<64x512xf32, #tpu.memory_space<vmem>>, %arg14: memref<64x128xf32, #tpu.memory_space<vmem>>, %arg15: memref<64x128xf32, #tpu.memory_space<vmem>>) attributes {dimension_semantics = [#tpu.dimension_semantics<core_parallel>, #tpu.dimension_semantics<subcore_parallel>], iteration_bounds = array<i64: 2, 16>, scalar_prefetch = 0 : i64, scratch_operands = 7 : i64, tpu.core_type = #tpu.core_type<sc_vector_subcore>, window_params = [{transform_indices = #map}, {transform_indices = #map1}, {transform_indices = #map1}, {transform_indices = #map1}, {transform_indices = #map}, {transform_indices = #map}, {transform_indices = #map2}]} {
    %mul3A = arith.constant 632 : i32
    %mul3A_0 = arith.muli %arg1, %mul3A : i32
    %mul3A_1 = arith.constant 632 : i32
    %mul3A_2 = arith.muli %arg1, %mul3A_1 : i32
    "tpu.region"() ({
      %run_scoped3A = tpu.sem_alloc : memref<!tpu.dma_semaphore, #tpu.memory_space<semaphore_mem>>
      %dma_start3A = arith.constant 0 : i32
      %dma_start3A_18 = tpu.memref_slice %arg9[%mul3A_2, %dma_start3A] : memref<10112x128xf32, #tpu.memory_space<vmem_shared>> -> memref<632x128xf32, #tpu.memory_space<vmem_shared>>
      %dma_start3A_19 = arith.constant 0 : i32
      %dma_start3A_20 = tpu.memref_slice %arg7[%mul3A_0, %dma_start3A_19] : memref<10112x128xf32, #tpu.memory_space<hbm>> -> memref<632x128xf32, #tpu.memory_space<hbm>>
      tpu.enqueue_dma source(%dma_start3A_20 : memref<632x128xf32, #tpu.memory_space<hbm>>) target(%dma_start3A_18 : memref<632x128xf32, #tpu.memory_space<vmem_shared>>) target_semaphore(%run_scoped3A : memref<!tpu.dma_semaphore, #tpu.memory_space<semaphore_mem>>)
      %dma_wait3A = arith.constant 0 : i32
      %dma_wait3A_21 = tpu.memref_slice %arg9[%mul3A_2, %dma_wait3A] : memref<10112x128xf32, #tpu.memory_space<vmem_shared>> -> memref<632x128xf32, #tpu.memory_space<vmem_shared>>
      %dma_wait3A_22 = arith.constant 0 : i32
      %dma_wait3A_23 = tpu.memref_slice %arg7[%mul3A_0, %dma_wait3A_22] : memref<10112x128xf32, #tpu.memory_space<hbm>> -> memref<632x128xf32, #tpu.memory_space<hbm>>
      tpu.wait_dma2 semaphore(%run_scoped3A : memref<!tpu.dma_semaphore, #tpu.memory_space<semaphore_mem>>) src(%dma_wait3A_23 : memref<632x128xf32, #tpu.memory_space<hbm>>) dst(%dma_wait3A_21 : memref<632x128xf32, #tpu.memory_space<vmem_shared>>)
      tpu.yield
    }) : () -> ()
    %barrier3A = arith.constant 0 : index
    tpu.barrier barrier_id(%barrier3A)
    %mul3A_3 = arith.constant 16 : i32
    %mul3A_4 = arith.muli %arg0, %mul3A_3 : i32
    %add3A = arith.addi %mul3A_4, %arg1 : i32
    %mul3A_5 = arith.constant 10048 : i32
    %mul3A_6 = arith.muli %add3A, %mul3A_5 : i32
    %scan3A = arith.constant 0 : i32
    %scan3A_7 = arith.constant 0 : i32
    %scan3A_8 = arith.constant 157 : i32
    %scan3A_9 = arith.addi %scan3A_7, %scan3A_8 : i32
    %scan3A_10 = arith.constant 1 : i32
    %scan3A_11 = scf.for %scan3A_18 = %scan3A_7 to %scan3A_9 step %scan3A_10 iter_args(%scan3A_19 = %scan3A) -> (i32)  : i32 {
      %mul3A_20 = arith.constant 64 : i32
      %mul3A_21 = arith.muli %scan3A_18, %mul3A_20 : i32
      %add3A_22 = arith.addi %mul3A_6, %mul3A_21 : i32
      "tpu.region"() ({
        %run_scoped3A = tpu.sem_alloc : memref<!tpu.dma_semaphore, #tpu.memory_space<semaphore_mem>>
        %dma_start3A = tpu.memref_slice %arg3[%add3A_22] : memref<321536xi32, #tpu.memory_space<hbm>> -> memref<64xi32, #tpu.memory_space<hbm>>
        %dma_start3A_26 = tpu.memref_slice %arg3[%add3A_22] : memref<321536xi32, #tpu.memory_space<hbm>> -> memref<64xi32, #tpu.memory_space<hbm>>
        tpu.enqueue_dma source(%dma_start3A_26 : memref<64xi32, #tpu.memory_space<hbm>>) target(%arg10 : memref<64xi32, #tpu.memory_space<vmem>>) target_semaphore(%run_scoped3A : memref<!tpu.dma_semaphore, #tpu.memory_space<semaphore_mem>>)
        %dma_wait3A = tpu.memref_slice %arg3[%add3A_22] : memref<321536xi32, #tpu.memory_space<hbm>> -> memref<64xi32, #tpu.memory_space<hbm>>
        %dma_wait3A_27 = tpu.memref_slice %arg3[%add3A_22] : memref<321536xi32, #tpu.memory_space<hbm>> -> memref<64xi32, #tpu.memory_space<hbm>>
        tpu.wait_dma2 semaphore(%run_scoped3A : memref<!tpu.dma_semaphore, #tpu.memory_space<semaphore_mem>>) src(%dma_wait3A_27 : memref<64xi32, #tpu.memory_space<hbm>>) dst(%arg10 : memref<64xi32, #tpu.memory_space<vmem>>)
        tpu.yield
      }) : () -> ()
      "tpu.region"() ({
        %run_scoped3A = tpu.sem_alloc : memref<!tpu.dma_semaphore, #tpu.memory_space<semaphore_mem>>
        %dma_start3A = tpu.memref_slice %arg4[%add3A_22] : memref<321536xi32, #tpu.memory_space<hbm>> -> memref<64xi32, #tpu.memory_space<hbm>>
        %dma_start3A_26 = tpu.memref_slice %arg4[%add3A_22] : memref<321536xi32, #tpu.memory_space<hbm>> -> memref<64xi32, #tpu.memory_space<hbm>>
        tpu.enqueue_dma source(%dma_start3A_26 : memref<64xi32, #tpu.memory_space<hbm>>) target(%arg11 : memref<64xi32, #tpu.memory_space<vmem>>) target_semaphore(%run_scoped3A : memref<!tpu.dma_semaphore, #tpu.memory_space<semaphore_mem>>)
        %dma_wait3A = tpu.memref_slice %arg4[%add3A_22] : memref<321536xi32, #tpu.memory_space<hbm>> -> memref<64xi32, #tpu.memory_space<hbm>>
        %dma_wait3A_27 = tpu.memref_slice %arg4[%add3A_22] : memref<321536xi32, #tpu.memory_space<hbm>> -> memref<64xi32, #tpu.memory_space<hbm>>
        tpu.wait_dma2 semaphore(%run_scoped3A : memref<!tpu.dma_semaphore, #tpu.memory_space<semaphore_mem>>) src(%dma_wait3A_27 : memref<64xi32, #tpu.memory_space<hbm>>) dst(%arg11 : memref<64xi32, #tpu.memory_space<vmem>>)
        tpu.yield
      }) : () -> ()
      "tpu.region"() ({
        %run_scoped3A = tpu.sem_alloc : memref<!tpu.dma_semaphore, #tpu.memory_space<semaphore_mem>>
        %dma_start3A = tpu.memref_slice %arg5[%add3A_22] : memref<321536xi32, #tpu.memory_space<hbm>> -> memref<64xi32, #tpu.memory_space<hbm>>
        %dma_start3A_26 = tpu.memref_slice %arg5[%add3A_22] : memref<321536xi32, #tpu.memory_space<hbm>> -> memref<64xi32, #tpu.memory_space<hbm>>
        tpu.enqueue_dma source(%dma_start3A_26 : memref<64xi32, #tpu.memory_space<hbm>>) target(%arg12 : memref<64xi32, #tpu.memory_space<vmem>>) target_semaphore(%run_scoped3A : memref<!tpu.dma_semaphore, #tpu.memory_space<semaphore_mem>>)
        %dma_wait3A = tpu.memref_slice %arg5[%add3A_22] : memref<321536xi32, #tpu.memory_space<hbm>> -> memref<64xi32, #tpu.memory_space<hbm>>
        %dma_wait3A_27 = tpu.memref_slice %arg5[%add3A_22] : memref<321536xi32, #tpu.memory_space<hbm>> -> memref<64xi32, #tpu.memory_space<hbm>>
        tpu.wait_dma2 semaphore(%run_scoped3A : memref<!tpu.dma_semaphore, #tpu.memory_space<semaphore_mem>>) src(%dma_wait3A_27 : memref<64xi32, #tpu.memory_space<hbm>>) dst(%arg12 : memref<64xi32, #tpu.memory_space<vmem>>)
        tpu.yield
      }) : () -> ()
      "tpu.region"() ({
        %run_scoped3A = tpu.sem_alloc : memref<!tpu.dma_semaphore, #tpu.memory_space<semaphore_mem>>
        %dma_start3A = arith.constant 0 : i32
        %dma_start3A_26 = arith.constant 0 : i32
        %dma_start3A_27 = tpu.memref_slice %arg2[%dma_start3A, %dma_start3A_26] : memref<10000x512xf32, #tpu.memory_space<hbm>> -> memref<10000x512xf32, #tpu.memory_space<hbm>>
        tpu.enqueue_indirect_dma source(%dma_start3A_27 : memref<10000x512xf32, #tpu.memory_space<hbm>>) target(%arg13 : memref<64x512xf32, #tpu.memory_space<vmem>>) offsets(%arg10 : memref<64xi32, #tpu.memory_space<vmem>>) semaphore(%run_scoped3A : memref<!tpu.dma_semaphore, #tpu.memory_space<semaphore_mem>>)
        %dma_wait3A = arith.constant 0 : i32
        %dma_wait3A_28 = arith.constant 0 : i32
        %dma_wait3A_29 = tpu.memref_slice %arg2[%dma_wait3A, %dma_wait3A_28] : memref<10000x512xf32, #tpu.memory_space<hbm>> -> memref<10000x512xf32, #tpu.memory_space<hbm>>
        tpu.wait_indirect_dma semaphore(%run_scoped3A : memref<!tpu.dma_semaphore, #tpu.memory_space<semaphore_mem>>) src(%dma_wait3A_29 : memref<10000x512xf32, #tpu.memory_space<hbm>>) dst(%arg13 : memref<64x512xf32, #tpu.memory_space<vmem>>)
        tpu.yield
      }) : () -> ()
      "tpu.region"() ({
        %run_scoped3A = tpu.sem_alloc : memref<!tpu.dma_semaphore, #tpu.memory_space<semaphore_mem>>
        %dma_start3A = arith.constant 0 : i32
        %dma_start3A_26 = arith.constant 0 : i32
        %dma_start3A_27 = tpu.memref_slice %arg6[%dma_start3A, %dma_start3A_26] : memref<16x128xf32, #tpu.memory_space<hbm>> -> memref<16x128xf32, #tpu.memory_space<hbm>>
        tpu.enqueue_indirect_dma source(%dma_start3A_27 : memref<16x128xf32, #tpu.memory_space<hbm>>) target(%arg15 : memref<64x128xf32, #tpu.memory_space<vmem>>) offsets(%arg12 : memref<64xi32, #tpu.memory_space<vmem>>) semaphore(%run_scoped3A : memref<!tpu.dma_semaphore, #tpu.memory_space<semaphore_mem>>)
        %dma_wait3A = arith.constant 0 : i32
        %dma_wait3A_28 = arith.constant 0 : i32
        %dma_wait3A_29 = tpu.memref_slice %arg6[%dma_wait3A, %dma_wait3A_28] : memref<16x128xf32, #tpu.memory_space<hbm>> -> memref<16x128xf32, #tpu.memory_space<hbm>>
        tpu.wait_indirect_dma semaphore(%run_scoped3A : memref<!tpu.dma_semaphore, #tpu.memory_space<semaphore_mem>>) src(%dma_wait3A_29 : memref<16x128xf32, #tpu.memory_space<hbm>>) dst(%arg15 : memref<64x128xf32, #tpu.memory_space<vmem>>)
        tpu.yield
      }) : () -> ()
      %parallel_loop3A = arith.constant 0 : i32
      %parallel_loop3A_23 = arith.constant 64 : i32
      %parallel_loop3A_24 = arith.constant 1 : i32
      scf.for %parallel_loop3A_26 = %parallel_loop3A to %parallel_loop3A_23 step %parallel_loop3A_24  : i32 {
        %parallel_loop3A_27 = arith.index_cast %parallel_loop3A_26 : i32 to index
        %parallel_loop3A_28 = arith.constant 0 : index
        %parallel_loop3A_29 = tpu.vector_load %arg15[%parallel_loop3A_27, %parallel_loop3A_28] {strides = array<i32>} : memref<64x128xf32, #tpu.memory_space<vmem>>, vector<16xf32>,
        %parallel_loop3A_30 = arith.index_cast %parallel_loop3A_26 : i32 to index
        %parallel_loop3A_31 = arith.constant 32 : index
        %parallel_loop3A_32 = tpu.vector_load %arg15[%parallel_loop3A_30, %parallel_loop3A_31] {strides = array<i32>} : memref<64x128xf32, #tpu.memory_space<vmem>>, vector<16xf32>,
        %parallel_loop3A_33 = arith.index_cast %parallel_loop3A_26 : i32 to index
        %parallel_loop3A_34 = arith.constant 64 : index
        %parallel_loop3A_35 = tpu.vector_load %arg15[%parallel_loop3A_33, %parallel_loop3A_34] {strides = array<i32>} : memref<64x128xf32, #tpu.memory_space<vmem>>, vector<16xf32>,
        %parallel_loop3A_36 = arith.index_cast %parallel_loop3A_26 : i32 to index
        %parallel_loop3A_37 = arith.constant 96 : index
        %parallel_loop3A_38 = tpu.vector_load %arg15[%parallel_loop3A_36, %parallel_loop3A_37] {strides = array<i32>} : memref<64x128xf32, #tpu.memory_space<vmem>>, vector<16xf32>,
        %parallel_loop3A_39 = arith.index_cast %parallel_loop3A_26 : i32 to index
        %parallel_loop3A_40 = arith.constant 0 : index
        %parallel_loop3A_41 = tpu.vector_load %arg13[%parallel_loop3A_39, %parallel_loop3A_40] {strides = array<i32>} : memref<64x512xf32, #tpu.memory_space<vmem>>, vector<16xf32>,
        %parallel_loop3A_42 = arith.mulf %parallel_loop3A_41, %parallel_loop3A_29 : vector<16xf32>
        %parallel_loop3A_43 = arith.index_cast %parallel_loop3A_26 : i32 to index
        %parallel_loop3A_44 = arith.constant 128 : index
        %parallel_loop3A_45 = tpu.vector_load %arg13[%parallel_loop3A_43, %parallel_loop3A_44] {strides = array<i32>} : memref<64x512xf32, #tpu.memory_space<vmem>>, vector<16xf32>,
        %parallel_loop3A_46 = arith.mulf %parallel_loop3A_45, %parallel_loop3A_32 : vector<16xf32>
        %parallel_loop3A_47 = arith.addf %parallel_loop3A_42, %parallel_loop3A_46 : vector<16xf32>
        %parallel_loop3A_48 = arith.index_cast %parallel_loop3A_26 : i32 to index
        %parallel_loop3A_49 = arith.constant 256 : index
        %parallel_loop3A_50 = tpu.vector_load %arg13[%parallel_loop3A_48, %parallel_loop3A_49] {strides = array<i32>} : memref<64x512xf32, #tpu.memory_space<vmem>>, vector<16xf32>,
        %parallel_loop3A_51 = arith.mulf %parallel_loop3A_50, %parallel_loop3A_35 : vector<16xf32>
        %parallel_loop3A_52 = arith.addf %parallel_loop3A_47, %parallel_loop3A_51 : vector<16xf32>
        %parallel_loop3A_53 = arith.index_cast %parallel_loop3A_26 : i32 to index
        %parallel_loop3A_54 = arith.constant 384 : index
        %parallel_loop3A_55 = tpu.vector_load %arg13[%parallel_loop3A_53, %parallel_loop3A_54] {strides = array<i32>} : memref<64x512xf32, #tpu.memory_space<vmem>>, vector<16xf32>,
        %parallel_loop3A_56 = arith.mulf %parallel_loop3A_55, %parallel_loop3A_38 : vector<16xf32>
        %parallel_loop3A_57 = arith.addf %parallel_loop3A_52, %parallel_loop3A_56 : vector<16xf32>
        %parallel_loop3A_58 = arith.index_cast %parallel_loop3A_26 : i32 to index
        %parallel_loop3A_59 = arith.constant 0 : index
        %parallel_loop3A_60 = tpu.vector_load %arg14[%parallel_loop3A_58, %parallel_loop3A_59] {strides = array<i32>} : memref<64x128xf32, #tpu.memory_space<vmem>>, vector<16xf32>,
        tpu.vector_store %arg14[%parallel_loop3A_58, %parallel_loop3A_59], %parallel_loop3A_57 {strides = array<i32>} : memref<64x128xf32, #tpu.memory_space<vmem>>, vector<16xf32>,
        %parallel_loop3A_61 = arith.index_cast %parallel_loop3A_26 : i32 to index
        %parallel_loop3A_62 = arith.constant 16 : index
        %parallel_loop3A_63 = tpu.vector_load %arg13[%parallel_loop3A_61, %parallel_loop3A_62] {strides = array<i32>} : memref<64x512xf32, #tpu.memory_space<vmem>>, vector<16xf32>,
        %parallel_loop3A_64 = arith.mulf %parallel_loop3A_63, %parallel_loop3A_29 : vector<16xf32>
        %parallel_loop3A_65 = arith.index_cast %parallel_loop3A_26 : i32 to index
        %parallel_loop3A_66 = arith.constant 144 : index
        %parallel_loop3A_67 = tpu.vector_load %arg13[%parallel_loop3A_65, %parallel_loop3A_66] {strides = array<i32>} : memref<64x512xf32, #tpu.memory_space<vmem>>, vector<16xf32>,
        %parallel_loop3A_68 = arith.mulf %parallel_loop3A_67, %parallel_loop3A_32 : vector<16xf32>
        %parallel_loop3A_69 = arith.addf %parallel_loop3A_64, %parallel_loop3A_68 : vector<16xf32>
        %parallel_loop3A_70 = arith.index_cast %parallel_loop3A_26 : i32 to index
        %parallel_loop3A_71 = arith.constant 272 : index
        %parallel_loop3A_72 = tpu.vector_load %arg13[%parallel_loop3A_70, %parallel_loop3A_71] {strides = array<i32>} : memref<64x512xf32, #tpu.memory_space<vmem>>, vector<16xf32>,
        %parallel_loop3A_73 = arith.mulf %parallel_loop3A_72, %parallel_loop3A_35 : vector<16xf32>
        %parallel_loop3A_74 = arith.addf %parallel_loop3A_69, %parallel_loop3A_73 : vector<16xf32>
        %parallel_loop3A_75 = arith.index_cast %parallel_loop3A_26 : i32 to index
        %parallel_loop3A_76 = arith.constant 400 : index
        %parallel_loop3A_77 = tpu.vector_load %arg13[%parallel_loop3A_75, %parallel_loop3A_76] {strides = array<i32>} : memref<64x512xf32, #tpu.memory_space<vmem>>, vector<16xf32>,
        %parallel_loop3A_78 = arith.mulf %parallel_loop3A_77, %parallel_loop3A_38 : vector<16xf32>
        %parallel_loop3A_79 = arith.addf %parallel_loop3A_74, %parallel_loop3A_78 : vector<16xf32>
        %parallel_loop3A_80 = arith.index_cast %parallel_loop3A_26 : i32 to index
        %parallel_loop3A_81 = arith.constant 16 : index
        %parallel_loop3A_82 = tpu.vector_load %arg14[%parallel_loop3A_80, %parallel_loop3A_81] {strides = array<i32>} : memref<64x128xf32, #tpu.memory_space<vmem>>, vector<16xf32>,
        tpu.vector_store %arg14[%parallel_loop3A_80, %parallel_loop3A_81], %parallel_loop3A_79 {strides = array<i32>} : memref<64x128xf32, #tpu.memory_space<vmem>>, vector<16xf32>,
        %parallel_loop3A_83 = arith.index_cast %parallel_loop3A_26 : i32 to index
        %parallel_loop3A_84 = arith.constant 32 : index
        %parallel_loop3A_85 = tpu.vector_load %arg13[%parallel_loop3A_83, %parallel_loop3A_84] {strides = array<i32>} : memref<64x512xf32, #tpu.memory_space<vmem>>, vector<16xf32>,
        %parallel_loop3A_86 = arith.mulf %parallel_loop3A_85, %parallel_loop3A_29 : vector<16xf32>
        %parallel_loop3A_87 = arith.index_cast %parallel_loop3A_26 : i32 to index
        %parallel_loop3A_88 = arith.constant 160 : index
        %parallel_loop3A_89 = tpu.vector_load %arg13[%parallel_loop3A_87, %parallel_loop3A_88] {strides = array<i32>} : memref<64x512xf32, #tpu.memory_space<vmem>>, vector<16xf32>,
        %parallel_loop3A_90 = arith.mulf %parallel_loop3A_89, %parallel_loop3A_32 : vector<16xf32>
        %parallel_loop3A_91 = arith.addf %parallel_loop3A_86, %parallel_loop3A_90 : vector<16xf32>
        %parallel_loop3A_92 = arith.index_cast %parallel_loop3A_26 : i32 to index
        %parallel_loop3A_93 = arith.constant 288 : index
        %parallel_loop3A_94 = tpu.vector_load %arg13[%parallel_loop3A_92, %parallel_loop3A_93] {strides = array<i32>} : memref<64x512xf32, #tpu.memory_space<vmem>>, vector<16xf32>,
        %parallel_loop3A_95 = arith.mulf %parallel_loop3A_94, %parallel_loop3A_35 : vector<16xf32>
        %parallel_loop3A_96 = arith.addf %parallel_loop3A_91, %parallel_loop3A_95 : vector<16xf32>
        %parallel_loop3A_97 = arith.index_cast %parallel_loop3A_26 : i32 to index
        %parallel_loop3A_98 = arith.constant 416 : index
        %parallel_loop3A_99 = tpu.vector_load %arg13[%parallel_loop3A_97, %parallel_loop3A_98] {strides = array<i32>} : memref<64x512xf32, #tpu.memory_space<vmem>>, vector<16xf32>,
        %parallel_loop3A_100 = arith.mulf %parallel_loop3A_99, %parallel_loop3A_38 : vector<16xf32>
        %parallel_loop3A_101 = arith.addf %parallel_loop3A_96, %parallel_loop3A_100 : vector<16xf32>
        %parallel_loop3A_102 = arith.index_cast %parallel_loop3A_26 : i32 to index
        %parallel_loop3A_103 = arith.constant 32 : index
        %parallel_loop3A_104 = tpu.vector_load %arg14[%parallel_loop3A_102, %parallel_loop3A_103] {strides = array<i32>} : memref<64x128xf32, #tpu.memory_space<vmem>>, vector<16xf32>,
        tpu.vector_store %arg14[%parallel_loop3A_102, %parallel_loop3A_103], %parallel_loop3A_101 {strides = array<i32>} : memref<64x128xf32, #tpu.memory_space<vmem>>, vector<16xf32>,
        %parallel_loop3A_105 = arith.index_cast %parallel_loop3A_26 : i32 to index
        %parallel_loop3A_106 = arith.constant 48 : index
        %parallel_loop3A_107 = tpu.vector_load %arg13[%parallel_loop3A_105, %parallel_loop3A_106] {strides = array<i32>} : memref<64x512xf32, #tpu.memory_space<vmem>>, vector<16xf32>,
        %parallel_loop3A_108 = arith.mulf %parallel_loop3A_107, %parallel_loop3A_29 : vector<16xf32>
        %parallel_loop3A_109 = arith.index_cast %parallel_loop3A_26 : i32 to index
        %parallel_loop3A_110 = arith.constant 176 : index
        %parallel_loop3A_111 = tpu.vector_load %arg13[%parallel_loop3A_109, %parallel_loop3A_110] {strides = array<i32>} : memref<64x512xf32, #tpu.memory_space<vmem>>, vector<16xf32>,
        %parallel_loop3A_112 = arith.mulf %parallel_loop3A_111, %parallel_loop3A_32 : vector<16xf32>
        %parallel_loop3A_113 = arith.addf %parallel_loop3A_108, %parallel_loop3A_112 : vector<16xf32>
        %parallel_loop3A_114 = arith.index_cast %parallel_loop3A_26 : i32 to index
        %parallel_loop3A_115 = arith.constant 304 : index
        %parallel_loop3A_116 = tpu.vector_load %arg13[%parallel_loop3A_114, %parallel_loop3A_115] {strides = array<i32>} : memref<64x512xf32, #tpu.memory_space<vmem>>, vector<16xf32>,
        %parallel_loop3A_117 = arith.mulf %parallel_loop3A_116, %parallel_loop3A_35 : vector<16xf32>
        %parallel_loop3A_118 = arith.addf %parallel_loop3A_113, %parallel_loop3A_117 : vector<16xf32>
        %parallel_loop3A_119 = arith.index_cast %parallel_loop3A_26 : i32 to index
        %parallel_loop3A_120 = arith.constant 432 : index
        %parallel_loop3A_121 = tpu.vector_load %arg13[%parallel_loop3A_119, %parallel_loop3A_120] {strides = array<i32>} : memref<64x512xf32, #tpu.memory_space<vmem>>, vector<16xf32>,
        %parallel_loop3A_122 = arith.mulf %parallel_loop3A_121, %parallel_loop3A_38 : vector<16xf32>
        %parallel_loop3A_123 = arith.addf %parallel_loop3A_118, %parallel_loop3A_122 : vector<16xf32>
        %parallel_loop3A_124 = arith.index_cast %parallel_loop3A_26 : i32 to index
        %parallel_loop3A_125 = arith.constant 48 : index
        %parallel_loop3A_126 = tpu.vector_load %arg14[%parallel_loop3A_124, %parallel_loop3A_125] {strides = array<i32>} : memref<64x128xf32, #tpu.memory_space<vmem>>, vector<16xf32>,
        tpu.vector_store %arg14[%parallel_loop3A_124, %parallel_loop3A_125], %parallel_loop3A_123 {strides = array<i32>} : memref<64x128xf32, #tpu.memory_space<vmem>>, vector<16xf32>,
        %parallel_loop3A_127 = arith.index_cast %parallel_loop3A_26 : i32 to index
        %parallel_loop3A_128 = arith.constant 64 : index
        %parallel_loop3A_129 = tpu.vector_load %arg13[%parallel_loop3A_127, %parallel_loop3A_128] {strides = array<i32>} : memref<64x512xf32, #tpu.memory_space<vmem>>, vector<16xf32>,
        %parallel_loop3A_130 = arith.mulf %parallel_loop3A_129, %parallel_loop3A_29 : vector<16xf32>
        %parallel_loop3A_131 = arith.index_cast %parallel_loop3A_26 : i32 to index
        %parallel_loop3A_132 = arith.constant 192 : index
        %parallel_loop3A_133 = tpu.vector_load %arg13[%parallel_loop3A_131, %parallel_loop3A_132] {strides = array<i32>} : memref<64x512xf32, #tpu.memory_space<vmem>>, vector<16xf32>,
        %parallel_loop3A_134 = arith.mulf %parallel_loop3A_133, %parallel_loop3A_32 : vector<16xf32>
        %parallel_loop3A_135 = arith.addf %parallel_loop3A_130, %parallel_loop3A_134 : vector<16xf32>
        %parallel_loop3A_136 = arith.index_cast %parallel_loop3A_26 : i32 to index
        %parallel_loop3A_137 = arith.constant 320 : index
        %parallel_loop3A_138 = tpu.vector_load %arg13[%parallel_loop3A_136, %parallel_loop3A_137] {strides = array<i32>} : memref<64x512xf32, #tpu.memory_space<vmem>>, vector<16xf32>,
        %parallel_loop3A_139 = arith.mulf %parallel_loop3A_138, %parallel_loop3A_35 : vector<16xf32>
        %parallel_loop3A_140 = arith.addf %parallel_loop3A_135, %parallel_loop3A_139 : vector<16xf32>
        %parallel_loop3A_141 = arith.index_cast %parallel_loop3A_26 : i32 to index
        %parallel_loop3A_142 = arith.constant 448 : index
        %parallel_loop3A_143 = tpu.vector_load %arg13[%parallel_loop3A_141, %parallel_loop3A_142] {strides = array<i32>} : memref<64x512xf32, #tpu.memory_space<vmem>>, vector<16xf32>,
        %parallel_loop3A_144 = arith.mulf %parallel_loop3A_143, %parallel_loop3A_38 : vector<16xf32>
        %parallel_loop3A_145 = arith.addf %parallel_loop3A_140, %parallel_loop3A_144 : vector<16xf32>
        %parallel_loop3A_146 = arith.index_cast %parallel_loop3A_26 : i32 to index
        %parallel_loop3A_147 = arith.constant 64 : index
        %parallel_loop3A_148 = tpu.vector_load %arg14[%parallel_loop3A_146, %parallel_loop3A_147] {strides = array<i32>} : memref<64x128xf32, #tpu.memory_space<vmem>>, vector<16xf32>,
        tpu.vector_store %arg14[%parallel_loop3A_146, %parallel_loop3A_147], %parallel_loop3A_145 {strides = array<i32>} : memref<64x128xf32, #tpu.memory_space<vmem>>, vector<16xf32>,
        %parallel_loop3A_149 = arith.index_cast %parallel_loop3A_26 : i32 to index
        %parallel_loop3A_150 = arith.constant 80 : index
        %parallel_loop3A_151 = tpu.vector_load %arg13[%parallel_loop3A_149, %parallel_loop3A_150] {strides = array<i32>} : memref<64x512xf32, #tpu.memory_space<vmem>>, vector<16xf32>,
        %parallel_loop3A_152 = arith.mulf %parallel_loop3A_151, %parallel_loop3A_29 : vector<16xf32>
        %parallel_loop3A_153 = arith.index_cast %parallel_loop3A_26 : i32 to index
        %parallel_loop3A_154 = arith.constant 208 : index
        %parallel_loop3A_155 = tpu.vector_load %arg13[%parallel_loop3A_153, %parallel_loop3A_154] {strides = array<i32>} : memref<64x512xf32, #tpu.memory_space<vmem>>, vector<16xf32>,
        %parallel_loop3A_156 = arith.mulf %parallel_loop3A_155, %parallel_loop3A_32 : vector<16xf32>
        %parallel_loop3A_157 = arith.addf %parallel_loop3A_152, %parallel_loop3A_156 : vector<16xf32>
        %parallel_loop3A_158 = arith.index_cast %parallel_loop3A_26 : i32 to index
        %parallel_loop3A_159 = arith.constant 336 : index
        %parallel_loop3A_160 = tpu.vector_load %arg13[%parallel_loop3A_158, %parallel_loop3A_159] {strides = array<i32>} : memref<64x512xf32, #tpu.memory_space<vmem>>, vector<16xf32>,
        %parallel_loop3A_161 = arith.mulf %parallel_loop3A_160, %parallel_loop3A_35 : vector<16xf32>
        %parallel_loop3A_162 = arith.addf %parallel_loop3A_157, %parallel_loop3A_161 : vector<16xf32>
        %parallel_loop3A_163 = arith.index_cast %parallel_loop3A_26 : i32 to index
        %parallel_loop3A_164 = arith.constant 464 : index
        %parallel_loop3A_165 = tpu.vector_load %arg13[%parallel_loop3A_163, %parallel_loop3A_164] {strides = array<i32>} : memref<64x512xf32, #tpu.memory_space<vmem>>, vector<16xf32>,
        %parallel_loop3A_166 = arith.mulf %parallel_loop3A_165, %parallel_loop3A_38 : vector<16xf32>
        %parallel_loop3A_167 = arith.addf %parallel_loop3A_162, %parallel_loop3A_166 : vector<16xf32>
        %parallel_loop3A_168 = arith.index_cast %parallel_loop3A_26 : i32 to index
        %parallel_loop3A_169 = arith.constant 80 : index
        %parallel_loop3A_170 = tpu.vector_load %arg14[%parallel_loop3A_168, %parallel_loop3A_169] {strides = array<i32>} : memref<64x128xf32, #tpu.memory_space<vmem>>, vector<16xf32>,
        tpu.vector_store %arg14[%parallel_loop3A_168, %parallel_loop3A_169], %parallel_loop3A_167 {strides = array<i32>} : memref<64x128xf32, #tpu.memory_space<vmem>>, vector<16xf32>,
        %parallel_loop3A_171 = arith.index_cast %parallel_loop3A_26 : i32 to index
        %parallel_loop3A_172 = arith.constant 96 : index
        %parallel_loop3A_173 = tpu.vector_load %arg13[%parallel_loop3A_171, %parallel_loop3A_172] {strides = array<i32>} : memref<64x512xf32, #tpu.memory_space<vmem>>, vector<16xf32>,
        %parallel_loop3A_174 = arith.mulf %parallel_loop3A_173, %parallel_loop3A_29 : vector<16xf32>
        %parallel_loop3A_175 = arith.index_cast %parallel_loop3A_26 : i32 to index
        %parallel_loop3A_176 = arith.constant 224 : index
        %parallel_loop3A_177 = tpu.vector_load %arg13[%parallel_loop3A_175, %parallel_loop3A_176] {strides = array<i32>} : memref<64x512xf32, #tpu.memory_space<vmem>>, vector<16xf32>,
        %parallel_loop3A_178 = arith.mulf %parallel_loop3A_177, %parallel_loop3A_32 : vector<16xf32>
        %parallel_loop3A_179 = arith.addf %parallel_loop3A_174, %parallel_loop3A_178 : vector<16xf32>
        %parallel_loop3A_180 = arith.index_cast %parallel_loop3A_26 : i32 to index
        %parallel_loop3A_181 = arith.constant 352 : index
        %parallel_loop3A_182 = tpu.vector_load %arg13[%parallel_loop3A_180, %parallel_loop3A_181] {strides = array<i32>} : memref<64x512xf32, #tpu.memory_space<vmem>>, vector<16xf32>,
        %parallel_loop3A_183 = arith.mulf %parallel_loop3A_182, %parallel_loop3A_35 : vector<16xf32>
        %parallel_loop3A_184 = arith.addf %parallel_loop3A_179, %parallel_loop3A_183 : vector<16xf32>
        %parallel_loop3A_185 = arith.index_cast %parallel_loop3A_26 : i32 to index
        %parallel_loop3A_186 = arith.constant 480 : index
        %parallel_loop3A_187 = tpu.vector_load %arg13[%parallel_loop3A_185, %parallel_loop3A_186] {strides = array<i32>} : memref<64x512xf32, #tpu.memory_space<vmem>>, vector<16xf32>,
        %parallel_loop3A_188 = arith.mulf %parallel_loop3A_187, %parallel_loop3A_38 : vector<16xf32>
        %parallel_loop3A_189 = arith.addf %parallel_loop3A_184, %parallel_loop3A_188 : vector<16xf32>
        %parallel_loop3A_190 = arith.index_cast %parallel_loop3A_26 : i32 to index
        %parallel_loop3A_191 = arith.constant 96 : index
        %parallel_loop3A_192 = tpu.vector_load %arg14[%parallel_loop3A_190, %parallel_loop3A_191] {strides = array<i32>} : memref<64x128xf32, #tpu.memory_space<vmem>>, vector<16xf32>,
        tpu.vector_store %arg14[%parallel_loop3A_190, %parallel_loop3A_191], %parallel_loop3A_189 {strides = array<i32>} : memref<64x128xf32, #tpu.memory_space<vmem>>, vector<16xf32>,
        %parallel_loop3A_193 = arith.index_cast %parallel_loop3A_26 : i32 to index
        %parallel_loop3A_194 = arith.constant 112 : index
        %parallel_loop3A_195 = tpu.vector_load %arg13[%parallel_loop3A_193, %parallel_loop3A_194] {strides = array<i32>} : memref<64x512xf32, #tpu.memory_space<vmem>>, vector<16xf32>,
        %parallel_loop3A_196 = arith.mulf %parallel_loop3A_195, %parallel_loop3A_29 : vector<16xf32>
        %parallel_loop3A_197 = arith.index_cast %parallel_loop3A_26 : i32 to index
        %parallel_loop3A_198 = arith.constant 240 : index
        %parallel_loop3A_199 = tpu.vector_load %arg13[%parallel_loop3A_197, %parallel_loop3A_198] {strides = array<i32>} : memref<64x512xf32, #tpu.memory_space<vmem>>, vector<16xf32>,
        %parallel_loop3A_200 = arith.mulf %parallel_loop3A_199, %parallel_loop3A_32 : vector<16xf32>
        %parallel_loop3A_201 = arith.addf %parallel_loop3A_196, %parallel_loop3A_200 : vector<16xf32>
        %parallel_loop3A_202 = arith.index_cast %parallel_loop3A_26 : i32 to index
        %parallel_loop3A_203 = arith.constant 368 : index
        %parallel_loop3A_204 = tpu.vector_load %arg13[%parallel_loop3A_202, %parallel_loop3A_203] {strides = array<i32>} : memref<64x512xf32, #tpu.memory_space<vmem>>, vector<16xf32>,
        %parallel_loop3A_205 = arith.mulf %parallel_loop3A_204, %parallel_loop3A_35 : vector<16xf32>
        %parallel_loop3A_206 = arith.addf %parallel_loop3A_201, %parallel_loop3A_205 : vector<16xf32>
        %parallel_loop3A_207 = arith.index_cast %parallel_loop3A_26 : i32 to index
        %parallel_loop3A_208 = arith.constant 496 : index
        %parallel_loop3A_209 = tpu.vector_load %arg13[%parallel_loop3A_207, %parallel_loop3A_208] {strides = array<i32>} : memref<64x512xf32, #tpu.memory_space<vmem>>, vector<16xf32>,
        %parallel_loop3A_210 = arith.mulf %parallel_loop3A_209, %parallel_loop3A_38 : vector<16xf32>
        %parallel_loop3A_211 = arith.addf %parallel_loop3A_206, %parallel_loop3A_210 : vector<16xf32>
        %parallel_loop3A_212 = arith.index_cast %parallel_loop3A_26 : i32 to index
        %parallel_loop3A_213 = arith.constant 112 : index
        %parallel_loop3A_214 = tpu.vector_load %arg14[%parallel_loop3A_212, %parallel_loop3A_213] {strides = array<i32>} : memref<64x128xf32, #tpu.memory_space<vmem>>, vector<16xf32>,
        tpu.vector_store %arg14[%parallel_loop3A_212, %parallel_loop3A_213], %parallel_loop3A_211 {strides = array<i32>} : memref<64x128xf32, #tpu.memory_space<vmem>>, vector<16xf32>,
      } {sc.loop_unroll_factor = 4 : i64, sc.parallel_access}
      "tpu.region"() ({
        %run_scoped3A = tpu.sem_alloc : memref<!tpu.dma_semaphore, #tpu.memory_space<semaphore_mem>>
        %dma_start3A = arith.constant 0 : i32
        %dma_start3A_26 = arith.constant 0 : i32
        %dma_start3A_27 = tpu.memref_slice %arg9[%dma_start3A, %dma_start3A_26] : memref<10112x128xf32, #tpu.memory_space<vmem_shared>> -> memref<10112x128xf32, #tpu.memory_space<vmem_shared>>
        tpu.enqueue_indirect_dma source(%arg14 : memref<64x128xf32, #tpu.memory_space<vmem>>) target(%dma_start3A_27 : memref<10112x128xf32, #tpu.memory_space<vmem_shared>>) offsets(%arg11 : memref<64xi32, #tpu.memory_space<vmem>>) semaphore(%run_scoped3A : memref<!tpu.dma_semaphore, #tpu.memory_space<semaphore_mem>>) {add = true}
        %dma_wait3A = arith.constant 0 : i32
        %dma_wait3A_28 = arith.constant 0 : i32
        %dma_wait3A_29 = tpu.memref_slice %arg9[%dma_wait3A, %dma_wait3A_28] : memref<10112x128xf32, #tpu.memory_space<vmem_shared>> -> memref<10112x128xf32, #tpu.memory_space<vmem_shared>>
        tpu.wait_indirect_dma semaphore(%run_scoped3A : memref<!tpu.dma_semaphore, #tpu.memory_space<semaphore_mem>>) src(%arg14 : memref<64x128xf32, #tpu.memory_space<vmem>>) dst(%dma_wait3A_29 : memref<10112x128xf32, #tpu.memory_space<vmem_shared>>)
        tpu.yield
      }) : () -> ()
      %scan3A_25 = arith.constant 0 : i32
      scf.yield %scan3A_25 : i32
    }
    %scan3A_12 = arith.constant 157 : i32
    %barrier3A_13 = arith.constant 0 : index
    tpu.barrier barrier_id(%barrier3A_13)
    %mul3A_14 = arith.constant 632 : i32
    %mul3A_15 = arith.muli %arg1, %mul3A_14 : i32
    %mul3A_16 = arith.constant 632 : i32
    %mul3A_17 = arith.muli %arg1, %mul3A_16 : i32
    "tpu.region"() ({
      %run_scoped3A = tpu.sem_alloc : memref<!tpu.dma_semaphore, #tpu.memory_space<semaphore_mem>>
      %dma_start3A = arith.constant 0 : i32
      %dma_start3A_18 = tpu.memref_slice %arg8[%arg0, %mul3A_17, %dma_start3A] : memref<2x10112x128xf32, #tpu.memory_space<hbm>> -> memref<1x632x128xf32, #tpu.memory_space<hbm>>
      %dma_start3A_19 = tpu.memref_squeeze %dma_start3A_18 : memref<1x632x128xf32, #tpu.memory_space<hbm>> -> memref<632x128xf32, #tpu.memory_space<hbm>>
      %dma_start3A_20 = arith.constant 0 : i32
      %dma_start3A_21 = tpu.memref_slice %arg9[%mul3A_15, %dma_start3A_20] : memref<10112x128xf32, #tpu.memory_space<vmem_shared>> -> memref<632x128xf32, #tpu.memory_space<vmem_shared>>
      tpu.enqueue_dma source(%dma_start3A_21 : memref<632x128xf32, #tpu.memory_space<vmem_shared>>) target(%dma_start3A_19 : memref<632x128xf32, #tpu.memory_space<hbm>>) target_semaphore(%run_scoped3A : memref<!tpu.dma_semaphore, #tpu.memory_space<semaphore_mem>>)
      %dma_wait3A = arith.constant 0 : i32
      %dma_wait3A_22 = tpu.memref_slice %arg8[%arg0, %mul3A_17, %dma_wait3A] : memref<2x10112x128xf32, #tpu.memory_space<hbm>> -> memref<1x632x128xf32, #tpu.memory_space<hbm>>
      %dma_wait3A_23 = tpu.memref_squeeze %dma_wait3A_22 : memref<1x632x128xf32, #tpu.memory_space<hbm>> -> memref<632x128xf32, #tpu.memory_space<hbm>>
      %dma_wait3A_24 = arith.constant 0 : i32
      %dma_wait3A_25 = tpu.memref_slice %arg9[%mul3A_15, %dma_wait3A_24] : memref<10112x128xf32, #tpu.memory_space<vmem_shared>> -> memref<632x128xf32, #tpu.memory_space<vmem_shared>>
      tpu.wait_dma2 semaphore(%run_scoped3A : memref<!tpu.dma_semaphore, #tpu.memory_space<semaphore_mem>>) src(%dma_wait3A_25 : memref<632x128xf32, #tpu.memory_space<vmem_shared>>) dst(%dma_wait3A_23 : memref<632x128xf32, #tpu.memory_space<hbm>>)
      tpu.yield
    }) : () -> ()
    return
  }
}

module attributes {stable_mosaic.version = 14 : i64} {
  func.func @_add_body(%arg0: i32, %arg1: memref<1x1000x128xf32, #tpu.memory_space<vmem>>, %arg2: memref<1x1000x128xf32, #tpu.memory_space<vmem>>, %arg3: memref<1000x128xf32, #tpu.memory_space<vmem>>) attributes {dimension_semantics = [#tpu.dimension_semantics<arbitrary>], iteration_bounds = array<i64: 10>, scalar_prefetch = 0 : i64, scratch_operands = 0 : i64, tpu.core_type = #tpu.core_type<tc>, window_params = [{transform_indices = @transform_0, window_bounds = array<i64: 1, 1000, 128>}, {transform_indices = @transform_1, window_bounds = array<i64: 1, 1000, 128>}, {transform_indices = @transform_2, window_bounds = array<i64: 1000, 128>}]} {
    %get3A = arith.constant 0 : index
    %get3A_0 = arith.constant 0 : index
    %get3A_1 = arith.constant 0 : index
    %get3A_2 = vector.load %arg1[%get3A, %get3A_0, %get3A_1] : memref<1x1000x128xf32, #tpu.memory_space<vmem>>, vector<1x1000x128xf32>
    %get3A_3 = vector.shape_cast %get3A_2 : vector<1x1000x128xf32> to vector<1000x128xf32>
    %get3A_4 = arith.constant 0 : index
    %get3A_5 = arith.constant 0 : index
    %get3A_6 = arith.constant 0 : index
    %get3A_7 = vector.load %arg2[%get3A_4, %get3A_5, %get3A_6] : memref<1x1000x128xf32, #tpu.memory_space<vmem>>, vector<1x1000x128xf32>
    %get3A_8 = vector.shape_cast %get3A_7 : vector<1x1000x128xf32> to vector<1000x128xf32>
    %add3A = arith.addf %get3A_3, %get3A_8 : vector<1000x128xf32>
    %swap3A = arith.constant 0 : index
    %swap3A_9 = arith.constant 0 : index
    %swap3A_10 = vector.load %arg3[%swap3A, %swap3A_9] : memref<1000x128xf32, #tpu.memory_space<vmem>>, vector<1000x128xf32>
    tpu.vector_store %arg3[%swap3A, %swap3A_9], %add3A {strides = array<i32>} : memref<1000x128xf32, #tpu.memory_space<vmem>>, vector<1000x128xf32>,
    return
  }
  func.func @transform_0(%arg0: i32) -> (i32, i32, i32) {
    %c0_i32 = arith.constant 0 : i32
    %c0_i32_0 = arith.constant 0 : i32
    %c0_i32_1 = arith.constant 0 : i32
    return %c0_i32, %arg0, %c0_i32_0 : i32, i32, i32
  }
  func.func @transform_1(%arg0: i32) -> (i32, i32, i32) {
    %c1_i32 = arith.constant 1 : i32
    %c0_i32 = arith.constant 0 : i32
    %c0_i32_0 = arith.constant 0 : i32
    return %c1_i32, %arg0, %c0_i32 : i32, i32, i32
  }
  func.func @transform_2(%arg0: i32) -> (i32, i32) {
    %c0_i32 = arith.constant 0 : i32
    %c0_i32_0 = arith.constant 0 : i32
    return %arg0, %c0_i32 : i32, i32
  }
}

module attributes {stable_mosaic.version = 14 : i64} {
  func.func @_mm_body(%arg0: i32, %arg1: memref<1000x128xf32, #tpu.memory_space<vmem>>, %arg2: memref<128x512xf32, #tpu.memory_space<vmem>>, %arg3: memref<1000x512xf32, #tpu.memory_space<vmem>>) attributes {dimension_semantics = [#tpu.dimension_semantics<arbitrary>], iteration_bounds = array<i64: 10>, scalar_prefetch = 0 : i64, scratch_operands = 0 : i64, tpu.core_type = #tpu.core_type<tc>, window_params = [{transform_indices = @transform_0, window_bounds = array<i64: 1000, 128>}, {pipeline_mode = #tpu.pipeline_mode<synchronous>, transform_indices = @transform_1, window_bounds = array<i64: 128, 512>}, {transform_indices = @transform_2, window_bounds = array<i64: 1000, 512>}]} {
    %get3A = arith.constant 0 : index
    %get3A_0 = arith.constant 0 : index
    %get3A_1 = vector.load %arg1[%get3A, %get3A_0] : memref<1000x128xf32, #tpu.memory_space<vmem>>, vector<1000x128xf32>
    %get3A_2 = arith.constant 0 : index
    %get3A_3 = arith.constant 0 : index
    %get3A_4 = vector.load %arg2[%get3A_2, %get3A_3] : memref<128x512xf32, #tpu.memory_space<vmem>>, vector<128x512xf32>
    %dot_general3A = arith.constant dense<0.000000e+00> : vector<1000x512xf32>
    %dot_general3A_5 = tpu.matmul %get3A_1, %get3A_4, %dot_general3A {dimension_numbers = #tpu.dot_dimension_numbers<[1], [0], [0], [1], [0, 0, 1, 1], [], []>, transpose_lhs_hint = false} : vector<1000x128xf32>, vector<128x512xf32>, vector<1000x512xf32> -> vector<1000x512xf32>
    %swap3A = arith.constant 0 : index
    %swap3A_6 = arith.constant 0 : index
    %swap3A_7 = vector.load %arg3[%swap3A, %swap3A_6] : memref<1000x512xf32, #tpu.memory_space<vmem>>, vector<1000x512xf32>
    tpu.vector_store %arg3[%swap3A, %swap3A_6], %dot_general3A_5 {strides = array<i32>} : memref<1000x512xf32, #tpu.memory_space<vmem>>, vector<1000x512xf32>,
    return
  }
  func.func @transform_0(%arg0: i32) -> (i32, i32) {
    %c0_i32 = arith.constant 0 : i32
    %c0_i32_0 = arith.constant 0 : i32
    return %arg0, %c0_i32 : i32, i32
  }
  func.func @transform_1(%arg0: i32) -> (i32, i32) {
    %c0_i32 = arith.constant 0 : i32
    %c0_i32_0 = arith.constant 0 : i32
    %c0_i32_1 = arith.constant 0 : i32
    return %c0_i32, %c0_i32_0 : i32, i32
  }
  func.func @transform_2(%arg0: i32) -> (i32, i32) {
    %c0_i32 = arith.constant 0 : i32
    %c0_i32_0 = arith.constant 0 : i32
    return %arg0, %c0_i32 : i32, i32
  }
}

</mosaic_0001>

<sc_bundles>
// kernel: kernel.5.cloned.1.call-start
scs
__scs_entry_jumppad:
0x0: {  	(pc) =	sbr.rel $0x88, $3  }
0x1: {  	(tag) =	ssettag $0x0;
	lr =	simm.s32 $0x1  }
0x2: {  	[smem:$0x3F9C] =	sst lr;
	_ =	strace $0xD0000000  }
0x3: {  	_ = 	snop  }
0x4: {  	_ = 	snop  }
0x5: {  	_ = 	snop  }
0x6: {  	_ = 	snop  }
0x7: {  	_ = 	snop  }
__scs_overlays_trampoline_lowered:
0x8: {  	[smem:$0x3FAB] =	sst s0  }
0x9: {  	[smem:$0x3FAC] =	sst s1  }
0xa: {  	[smem:$0x3FAD] =	sst s2  }
0xb: {  	[smem:$0x3FAE] =	sst s3  }
0xc: {  	[smem:$0x3FAF] =	sst s4  }
0xd: {  	[smem:$0x3FB0] =	sst s5  }
0xe: {  	[smem:$0x3FB1] =	sst s6  }
0xf: {  	[smem:$0x3FB2] =	sst s7  }
0x10: {  	[smem:$0x3FB3] =	sst s8  }
0x11: {  	[smem:$0x3FB4] =	sst s9;
	s0 =	simm.s32 @!p0 $0x0  }
0x12: {  	s1 =	sld [smem:$0x3F9A];
	s0 =	simm.s32 @p0 $0x1  }
0x13: {  	[smem:$0x3FB5] =	sst s0;
	s0 =	simm.s32 @!p1 $0x0  }
0x14: {  	s2 =	sld [smem:$0x3F99];
	s0 =	simm.s32 @p1 $0x1  }
0x15: {  	[smem:$0x3FB6] =	sst s0;
	s0 =	simm.s32 @!p2 $0x0  }
0x16: {  	s3 =	sld [smem:$0x3FDB];
	s0 =	simm.s32 @p2 $0x1  }
0x17: {  	s4 =	simm.s32 $0x1BF5;
	[smem:$0x3FB8] =	sst s0  }
0x18: {  	s0 =	sld [smem:$0x3F9B];
	_ =	swait.ge [sflag:s4], $0x0  }
0x19: {  	s7 =	sld [smem:$0x3F9C]  }
0x1a: {  	s8 =	sadd.s32 $0xFFFFE003, lr  }
0x1b: {  	s9 =	sadd.s32 $0xFFFFFEF7, lr;
	s5 =	simm.s32 $0xFFFFFFFF;
	p2 =	slt.u32 s8, $0xFFFFF086  }
0x1c: {  	p1 =	slt.u32 s9, $0xF7A;
	s5 =	simm.s32 @!p2 $0x0  }
0x1d: {  	s5 =	simm.s32 @p1 $0x1;
	p0 =	seq.s32 s7, s2  }
0x1e: {  	s7 =	smul.u32 @!p0 $0xF7A, s2;
	p2 =	seq.s32 @!p0 s5, $0x0  }
0x1f: {  	s9 =	smul.u32 $0xF7A, s1;
	s8 =	simm.s32 @!p0 $0x1BF5;
	p2 =	por !p2, p0  }
0x20: {  	[sflag:s8] =	ssyncset.s32 @!p0 $0xFFFFF086;
	s6 =	sadd.s32 @!p0 s3, s7;
	s7 =	simm.s32 @!p0 $0x108  }
0x21: {  	s3 =	sadd.s32 s3, s9;
	s6 =	sadd.s32 @!p0 $0x88, s6;
	s7 =	simm.s32 @p2 $0x1082  }
0x22: {  	[simem:s7], [sflag:s8] =	dma.local @!p0 [hbm:s6], $0xF7A  }
0x23: {  	s9 =	sor.u32 $0xD0000000, s2;
	s6 =	simm.s32 $0x108;
	_ =	swait.ge @!p0 [sflag:s8], $0x0  }
0x24: {  	s3 =	sadd.s32 $0x88, s3;
	s6 =	simm.s32 @!p1 $0x1082;
	[sflag:s4] =	ssyncset.s32 $0xFFFFF086  }
0x25: {  	[simem:s6], [sflag:s4] =	dma.local [hbm:s3], $0xF7A  }
0x26: {  	[smem:$0x3F9C] =	sst s1;
	(tag) =	ssettag s2;
	_ =	strace s9  }
0x27: {  	s1 =	sld [smem:$0x3FAC]  }
0x28: {  	s2 =	sld [smem:$0x3FAD]  }
0x29: {  	s4 =	sld [smem:$0x3FAF]  }
0x2a: {  	p0 =	seq.s32 s5, $0x0;
	s5 =	sld [smem:$0x3FB0]  }
0x2b: {  	s6 =	sld [smem:$0x3FB1]  }
0x2c: {  	s7 =	sld [smem:$0x3FB2]  }
0x2d: {  	s3 =	simm.s32 $0x108;
	s8 =	sld [smem:$0x3FB3]  }
0x2e: {  	s3 =	simm.s32 @!p0 $0x1082;
	s9 =	sld [smem:$0x3FB4]  }
0x2f: {  	lr =	sadd.s32 s0, s3;
	s0 =	sld [smem:$0x3FAB]  }
0x30: {  	s3 =	sld [smem:$0x3FAE]  }
0x31: {  	[smem:$0x3FB7] =	sst s10  }
0x32: {  	s10 =	sld [smem:$0x3FB5];
	_ =	sdelay $0x3  }
0x33: {  	p0 =	seq.s32 s10, $0x1;
	s10 =	sld [smem:$0x3FB7];
	_ =	sdelay $0x3  }
0x34: {  	[smem:$0x3FB7] =	sst s10  }
0x35: {  	s10 =	sld [smem:$0x3FB6];
	_ =	sdelay $0x3  }
0x36: {  	p1 =	seq.s32 s10, $0x1;
	s10 =	sld [smem:$0x3FB7];
	_ =	sdelay $0x3  }
0x37: {  	[smem:$0x3FB7] =	sst s10  }
0x38: {  	s10 =	sld [smem:$0x3FB8]  }
0x39: {  	_ = 	snop;
	(pc) =	sbr.ind lr, $3  }
0x3a: {  	_ = 	snop  }
0x3b: {  	_ = 	snop  }
0x3c: {  	p2 =	seq.s32 s10, $0x1;
	s10 =	sld [smem:$0x3FB7]  }
0x3d: {  	_ =	shalt  }
0x3e: {  	_ =	shalt  }
0x3f: {  	_ =	shalt  }
0x40: {  	_ =	shalt  }
0x41: {  	_ =	shalt  }
0x42: {  	_ =	shalt  }
0x43: {  	_ =	shalt  }
0x44: {  	_ =	shalt  }
0x45: {  	_ =	shalt  }
0x46: {  	_ =	shalt  }
0x47: {  	_ =	shalt  }
0x48: {  	_ =	shalt  }
0x49: {  	_ =	shalt  }
0x4a: {  	_ =	shalt  }
0x4b: {  	_ =	shalt  }
0x4c: {  	_ =	shalt  }
0x4d: {  	_ =	shalt  }
0x4e: {  	_ =	shalt  }
0x4f: {  	_ =	shalt  }
0x50: {  	_ =	shalt  }
0x51: {  	_ =	shalt  }
0x52: {  	_ =	shalt  }
0x53: {  	_ =	shalt  }
0x54: {  	_ =	shalt  }
0x55: {  	_ =	shalt  }
0x56: {  	_ =	shalt  }
0x57: {  	_ =	shalt  }
0x58: {  	_ =	shalt  }
0x59: {  	_ =	shalt  }
0x5a: {  	_ =	shalt  }
0x5b: {  	_ =	shalt  }
0x5c: {  	_ =	shalt  }
0x5d: {  	_ =	shalt  }
0x5e: {  	_ =	shalt  }
0x5f: {  	_ =	shalt  }
0x60: {  	_ =	shalt  }
0x61: {  	_ =	shalt  }
0x62: {  	_ =	shalt  }
0x63: {  	_ =	shalt  }
0x64: {  	_ =	shalt  }
0x65: {  	_ =	shalt  }
0x66: {  	_ =	shalt  }
0x67: {  	_ =	shalt  }
0x68: {  	_ =	shalt  }
0x69: {  	_ =	shalt  }
0x6a: {  	_ =	shalt  }
0x6b: {  	_ =	shalt  }
0x6c: {  	_ =	shalt  }
0x6d: {  	_ =	shalt  }
0x6e: {  	_ =	shalt  }
0x6f: {  	_ =	shalt  }
0x70: {  	_ =	shalt  }
0x71: {  	_ =	shalt  }
0x72: {  	_ =	shalt  }
0x73: {  	_ =	shalt  }
0x74: {  	_ =	shalt  }
0x75: {  	_ =	shalt  }
0x76: {  	_ =	shalt  }
0x77: {  	_ =	shalt  }
0x78: {  	_ =	shalt  }
0x79: {  	_ =	shalt  }
0x7a: {  	_ =	shalt  }
0x7b: {  	_ =	shalt  }
0x7c: {  	_ =	shalt  }
0x7d: {  	_ =	shalt  }
0x7e: {  	_ =	shalt  }
0x7f: {  	_ =	shalt  }
0x80: {  	_ =	shalt  }
0x81: {  	_ =	shalt  }
0x82: {  	_ =	shalt  }
0x83: {  	_ =	shalt  }
0x84: {  	_ =	shalt  }
0x85: {  	_ =	shalt  }
0x86: {  	_ =	shalt  }
0x87: {  	_ =	shalt  }
.Lfunc_end0:
.L_simem_size_0:
called_computation_lowered:
.L_overlay_start_0:
0x88: {  	s2 =	sld [smem:$0x3FD9]  }
0x89: {  	s3 =	sld [smem:$0x3FFE];
	_ =	sdelay $0x1  }
0x8a: {  	s1 =	srdreg.scid  }
0x8b: {  	s0 =	sand.u32 $0x1, s1  }
0x8c: {  	s17 =	sshll.u32 s0, $0xA;
	s2 =	sadd.s32 s3, s2  }
0x8d: {  	s2 =	sadd.s32 s2, s17  }
0x8e: {  	[smem:$0x3FC3] =	sst s2  }
0x8f: {  	_ = 	snop  }
0x90: {  	s2 =	sld [smem:$0x3FD0];
	(tm) =	ssettm $0x1  }
0x91: {  	s18 =	sld [smem:$0x3FFB];
	_ =	sdelay $0x3  }
0x92: {  	_ =	strace s18  }
0x93: {  	s3 =	sld [smem:$0x3FFC];
	_ =	sdelay $0x3  }
0x94: {  	_ =	strace s3  }
0x95: {  	s3 =	sld [smem:$0x3FFD];
	_ =	sdelay $0x3  }
0x96: {  	_ =	strace s3  }
0x97: {  	_ =	strace $0x8FFFFFFF  }
0x98: {  	s19 =	sld [smem:$0x3FDB];
	_ =	sdelay $0x1  }
0x99: {  	s4 =	simm.s32 $_scs_section_size  }
0x9a: {  	s5 =	simm.s32 $_size__tile_overlayer_lowered;
	s6 =	simm.s32 $_tile_overlayer_lowered  }
0x9b: {  	s22 =	simm.s32 $0x1BFF;
	s21 =	sshll.u32 s6, $0x1;
	s3 =	sadd.s32 s4, s19  }
0x9c: {  	s7 =	simm.s32 $0x0;
	s20 =	sshll.u32 s5, $0x1;
	s5 =	sadd.s32 s21, s3  }
0x9d: {  	[timem:s7], [sflag:s22] =	dma.local [hbm:s5], s20  }
0x9e: {  	_ =	swait.ge [sflag:s22], s20  }
0x9f: {  	s4 =	ssub.s32 $0x0, s20;
	[sflag:s22] =	ssyncset.done $0x0  }
0xa0: {  	[sflag:s22] =	ssyncadd.s32 s4;
	_ =	sdelay $0x1  }
0xa1: {  	s23 =	simm.s32 $0x1B8B  }
0xa2: {  	_ =	swait.ge [sflag:s23], $0x1  }
0xa3: {  	[sflag:s23] =	ssyncset.done $0x0  }
0xa4: {  	s25 =	simm.s32 $0x1B8E;
	s24 =	sld [smem:$0x3FFE];
	[sflag:s23] =	ssyncadd.s32 $0xFFFFFFFF  }
0xa5: {  	s26 =	simm.s32 $execute0_lowered;
	[smem:$0x3FD2] =	sst s25  }
0xa6: {  	s5 =	sshll.u32 s26, $0x1;
	_ =	strace $0x80000046;
	[dreg:$0x1] =	wrdreg $0xFFFFFFFF  }
0xa7: {  	s28 =	simm.s32 $_size_execute0_lowered;
	s3 =	sadd.s32 s3, s5;
	[dreg:$0x0] =	wrdreg $0x0  }
0xa8: {  	s5 =	sshll.u32 s28, $0x1;
	[dreg:$0x2] =	wrdreg s3  }
0xa9: {  	[dreg:$0x3] =	wrdreg s5  }
0xaa: {  	[dreg:$0x4] =	wrdreg $0xC0  }
0xab: {  	_ =	task [dreg:s7], $0x5FFFF  }
0xac: {  	[dreg:$0x1] =	wrdreg $0xFFFFFFFF  }
0xad: {  	[dreg:$0x0] =	wrdreg $0x60  }
0xae: {  	[dreg:$0x2] =	wrdreg s24  }
0xaf: {  	[dreg:$0x3] =	wrdreg s2  }
0xb0: {  	[dreg:$0x4] =	wrdreg $0x0  }
0xb1: {  	[dreg:$0x5] =	wrdreg $0x9  }
0xb2: {  	_ =	task.clear_ibuf [dreg:s7], $0x6FFFF;
	_ =	strace $0x90000046  }
0xb3: {  	s29 =	simm.s32 $0x9;
	_ =	strace $0x80000048  }
0xb4: {  	_ =	swait.ge [sflag:s29], $0x1  }
0xb5: {  	[sflag:s29] =	ssyncadd.s32 $0xFFFFFFFF  }
0xb6: {  	_ =	strace $0x90000048  }
0xb7: {  	_ =	sfence  }
0xb8: {  	s30 =	sld [smem:$0x0];
	_ =	sdelay $0x2  }
0xb9: {  	s31 =	sshll.u32 s1, $0xD;
	s1 =	sshrl.u32 s1, $0x2  }
0xba: {  	s3 =	sand.u32 $0x4000, s31;
	s1 =	sadd.s32 s1, s30  }
0xbb: {  	s0 =	sor.u32 s3, s0;
	s1 =	sshll.u32 s1, $0x11  }
0xbc: {  	s0 =	sor.u32 s1, s0  }
0xbd: {  	s0 =	sadd.s32 $0x8F2B, s0  }
0xbe: {  	[sflag:s0] =	ssyncadd.remote.s32 $0x1  }
0xbf: {  	_ =	sfence.sel $0xFFFF  }
0xc0: {  	[dreg:$0x0] =	wrdreg $0xFFFFFFFF;
	(pc) =	sbr.abs _section_cstart, $3  }
0xc1: {  	[dreg:$0x1] =	wrdreg $0xFFFFFFFF  }
0xc2: {  	_ =	task.clear_ibuf [dreg:s7], $0x2FFFF;
	_ =	strace $0x9FFFFFFF  }
0xc3: {  	(tm) =	ssettm $0x7FFFFFFF  }
tec
execute0_lowered:
.L_overlay_start_1:
0x0: {  	(tag) =	ssettag $0x1  }
0x1: {  	s0 =	rddreg [dreg:$0x0]  }
0x2: {  	s8 =	rddreg [dreg:$0x2]  }
0x3: {  	s9 =	simm.s32 $0x0;
	s7 =	stileid.u32;
	s1 =	srdreg.scid  }
0x4: {  	[smem:$0x7FF] =	sst s9;
	s2 =	smul.u32 $0x13C00, s7;
	s4 =	sadd.s32 $0x14800, s0  }
0x5: {  	s23 =	sadd.s32 $0xAA00, s0;
	_ =	strace $0x80000047;
	[smem:$0x7F3] =	sst s4  }
0x6: {  	s1 =	sand.u32 $0x1, s1;
	s24 =	sadd.s32 $0xC00, s0;
	[smem:$0x7F4] =	sst s23  }
0x7: {  	s25 =	sadd.s32 $0xA00, s0;
	s5 =	smul.u32 $0x4F000, s7;
	[smem:$0x7F5] =	sst s24  }
0x8: {  	s29 =	sshll.u32 s7, $0x6;
	s3 =	smul.u32 $0x13C000, s1;
	[smem:$0x7F6] =	sst s25  }
0x9: {  	s28 =	ssub.s32 $0x2, s1;
	s1 =	sshll.u32 s1, $0x4;
	s26 =	sshrl.u32 s2, $0x3  }
0xa: {  	s6 =	sshrl.u32 s28, $0x1;
	s1 =	sor.u32 s7, s1;
	s4 =	sadd.s32 s26, s0  }
0xb: {  	s5 =	sshrl.u32 s5, $0x2;
	s1 =	smul.u32 $0x2740, s1;
	s4 =	sadd.s32 $0xB0C00, s4  }
0xc: {  	s2 =	sadd.s32 s2, s3;
	s3 =	ssub.s32 s28, s6;
	[smem:$0x7F7] =	sst s4  }
0xd: {  	s2 =	sshrl.u32 s2, $0x3;
	s31 =	smax.u32 s3, $0x1;
	[smem:$0x7F8] =	sst s1  }
0xe: {  	s2 =	sadd.s32 s2, s0;
	s0 =	sadd.s32 $0x14900, s0;
	[smem:$0x7FB] =	sst s31  }
0xf: {  	s5 =	sadd.s32 s5, s8;
	s4 =	sor.u32 $0x1C01, s29;
	[smem:$0x7F9] =	sst s0  }
0x10: {  	v2 =	vlaneseq.u32;
	s1 =	sshrl.u32 s5, $0x3;
	[smem:$0x7FC] =	sst s4  }
0x11: {  	vm0 =	vmmov $0xffff;
	v1 =	vshrl.u32 v2, $0x3;
	s7 =	simm.s32 $0x40;
	s30 =	sadd.s32 $0xD8400, s2;
	[smem:$0x7FD] =	sst s1  }
0x12: {  	v0 =	vand.u32 $0x7, v2;
	v2 =	vor.u32 $0x8, v2;
	v1 =	vmul.u32 $0x8, v1;
	s6 =	simm.s32 $0x13C80;
	s2 =	simm.s32 $0x1;
	[smem:$0x7FA] =	sst s30  }
.LBB2_1:
0x13: {  	s0 =	sld [smem:$0x7F7];
	_ =	sdelay $0x1  }
0x14: {  	[smem:$0x7F2] =	sst s9  }
0x15: {  	[spmem:s1], [sflag:s4] =	dma.local [hbm:s0], $0x2780  }
0x16: {  	_ =	swait.ge [sflag:s2], $0x2780  }
0x17: {  	[sflag:s2] =	ssyncset.done $0x0  }
0x18: {  	[sflag:s2] =	ssyncadd.s32 $0xFFFFD880  }
0x19: {  	s0 =	simm.s32 $0x0;
	[bflag:$0x0] =	sbarrier.arrive $0xFFFF  }
.LBB2_2:
0x1a: {  	s1 =	sld [smem:$0x7F8];
	_ =	sdelay $0x1  }
0x1b: {  	s8 =	sshll.u32 s0, $0x6  }
0x1c: {  	[smem:$0x7F1] =	sst s0;
	s0 =	sadd.s32 s1, s8  }
0x1d: {  	s9 =	rddreg [dreg:$0x1];
	s0 =	sshrl.u32 s0, $0x3  }
0x1e: {  	s5 =	simm.s32 $0x0;
	s3 =	simm.s32 $0x13C00;
	s1 =	sadd.s32 s9, s0  }
0x1f: {  	[tilespmem:s3], [sflag:$0x1] =	stream.linear.gather [hbm4b:s1+s5], $0x40, $0x38;
	[tilespmem:$0x1FD80] =	vst v63  }
0x20: {  	_ =	swait.ge [sflag:s2], $0x40  }
0x21: {  	s10 =	sld [smem:$0x7F4];
	_ =	sdelay $0x1  }
0x22: {  	[sflag:s2] =	ssyncset.done $0x0  }
0x23: {  	[sflag:s2] =	ssyncadd.s32 $0xFFFFFFC0;
	s1 =	sadd.s32 s10, s0  }
0x24: {  	[tilespmem:s6], [sflag:$0x1] =	stream.linear.gather [hbm4b:s1+s5], $0x40, $0x38;
	[tilespmem:$0x1FD80] =	vst v63  }
0x25: {  	_ =	swait.ge [sflag:s2], $0x40  }
0x26: {  	s11 =	sld [smem:$0x7F5];
	_ =	sdelay $0x1  }
0x27: {  	[sflag:s2] =	ssyncset.done $0x0  }
0x28: {  	s12 =	simm.s32 $0x13D00;
	[sflag:s2] =	ssyncadd.s32 $0xFFFFFFC0;
	s0 =	sadd.s32 s11, s0  }
0x29: {  	[tilespmem:s12], [sflag:$0x1] =	stream.linear.gather [hbm4b:s0+s5], $0x40, $0x38;
	[tilespmem:$0x1FD80] =	vst v63  }
0x2a: {  	_ =	swait.ge [sflag:s2], $0x40  }
0x2b: {  	[sflag:s2] =	ssyncset.done $0x0  }
0x2c: {  	[sflag:s2] =	ssyncadd.s32 $0xFFFFFFC0  }
0x2d: {  	v3 =	vld [tilespmem:$0x13C00];
	_ =	sdelay $0x4  }
0x2e: {  	v4 =	vshll.u32 v3, $0x2  }
0x2f: {  	v3 =	vand.u32 $0x7, v3;
	v4 =	vand.u32 $0xFFFFFFE0, v4  }
0x30: {  	v3 =	vor.u32 v3, v4  }
0x31: {  	v4 =	vperm.xlane v3, v0;
	_ =	sdelay $0x1  }
0x32: {  	v4 =	vadd.s32 v1, v4;
	_ =	sdelay $0x1  }
0x33: {  	s13 =	sld [smem:$0x7F3];
	v3 =	vperm.xlane v3, v2;
	_ =	sdelay $0x1  }
0x34: {  	s14 =	simm.s32 $0x13D80;
	s15 =	sld [smem:$0x7F9];
	v3 =	vadd.s32 v1, v3  }
0x35: {  	[tilespmem:s14], [sflag:$0x1] =	stream.indirect_vreg.gather [hbm4b:s13+s5], $0x80, v4, vm0, $0xb8;
	[tilespmem:$0x1FD80] =	vst v63  }
0x36: {  	s4 =	simm.s32 $0x14580  }
0x37: {  	[tilespmem:s4], [sflag:$0x1] =	stream.indirect_vreg.gather [hbm4b:s15+s5], $0x80, v4, vm0, $0xb8;
	[tilespmem:$0x1FD80] =	vst v63  }
0x38: {  	s16 =	simm.s32 $0x14D80  }
0x39: {  	[tilespmem:s16], [sflag:$0x1] =	stream.indirect_vreg.gather [hbm4b:s13+s5], $0x80, v3, vm0, $0xb8;
	[tilespmem:$0x1FD80] =	vst v63  }
0x3a: {  	s17 =	simm.s32 $0x15580  }
0x3b: {  	[tilespmem:s17], [sflag:$0x1] =	stream.indirect_vreg.gather [hbm4b:s15+s5], $0x80, v3, vm0, $0xb8;
	[tilespmem:$0x1FD80] =	vst v63  }
0x3c: {  	v3 =	vld [tilespmem:$0x13C10];
	_ =	sdelay $0x4  }
0x3d: {  	v4 =	vshll.u32 v3, $0x2  }
0x3e: {  	v3 =	vand.u32 $0x7, v3;
	v4 =	vand.u32 $0xFFFFFFE0, v4  }
0x3f: {  	v3 =	vor.u32 v3, v4  }
0x40: {  	v4 =	vperm.xlane v3, v0;
	_ =	sdelay $0x1  }
0x41: {  	v4 =	vadd.s32 v1, v4;
	_ =	sdelay $0x1  }
0x42: {  	v3 =	vperm.xlane v3, v2;
	_ =	sdelay $0x1  }
0x43: {  	s18 =	simm.s32 $0x15D80;
	v3 =	vadd.s32 v1, v3  }
0x44: {  	[tilespmem:s18], [sflag:$0x1] =	stream.indirect_vreg.gather [hbm4b:s13+s5], $0x80, v4, vm0, $0xb8;
	[tilespmem:$0x1FD80] =	vst v63  }
0x45: {  	s19 =	simm.s32 $0x16580  }
0x46: {  	[tilespmem:s19], [sflag:$0x1] =	stream.indirect_vreg.gather [hbm4b:s15+s5], $0x80, v4, vm0, $0xb8;
	[tilespmem:$0x1FD80] =	vst v63  }
0x47: {  	s20 =	simm.s32 $0x16D80  }
0x48: {  	[tilespmem:s20], [sflag:$0x1] =	stream.indirect_vreg.gather [hbm4b:s13+s5], $0x80, v3, vm0, $0xb8;
	[tilespmem:$0x1FD80] =	vst v63  }
0x49: {  	s21 =	simm.s32 $0x17580  }
0x4a: {  	[tilespmem:s21], [sflag:$0x1] =	stream.indirect_vreg.gather [hbm4b:s15+s5], $0x80, v3, vm0, $0xb8;
	[tilespmem:$0x1FD80] =	vst v63  }
0x4b: {  	v3 =	vld [tilespmem:$0x13C20];
	_ =	sdelay $0x4  }
0x4c: {  	v4 =	vshll.u32 v3, $0x2  }
0x4d: {  	v3 =	vand.u32 $0x7, v3;
	v4 =	vand.u32 $0xFFFFFFE0, v4  }
0x4e: {  	v3 =	vor.u32 v3, v4  }
0x4f: {  	v4 =	vperm.xlane v3, v0;
	_ =	sdelay $0x1  }
0x50: {  	v4 =	vadd.s32 v1, v4;
	_ =	sdelay $0x1  }
0x51: {  	v3 =	vperm.xlane v3, v2;
	_ =	sdelay $0x1  }
0x52: {  	s22 =	simm.s32 $0x17D80;
	v3 =	vadd.s32 v1, v3  }
0x53: {  	[tilespmem:s22], [sflag:$0x1] =	stream.indirect_vreg.gather [hbm4b:s13+s5], $0x80, v4, vm0, $0xb8;
	[tilespmem:$0x1FD80] =	vst v63  }
0x54: {  	s23 =	simm.s32 $0x18580  }
0x55: {  	[tilespmem:s23], [sflag:$0x1] =	stream.indirect_vreg.gather [hbm4b:s15+s5], $0x80, v4, vm0, $0xb8;
	[tilespmem:$0x1FD80] =	vst v63  }
0x56: {  	s24 =	simm.s32 $0x18D80  }
0x57: {  	[tilespmem:s24], [sflag:$0x1] =	stream.indirect_vreg.gather [hbm4b:s13+s5], $0x80, v3, vm0, $0xb8;
	[tilespmem:$0x1FD80] =	vst v63  }
0x58: {  	s25 =	simm.s32 $0x19580  }
0x59: {  	[tilespmem:s25], [sflag:$0x1] =	stream.indirect_vreg.gather [hbm4b:s15+s5], $0x80, v3, vm0, $0xb8;
	[tilespmem:$0x1FD80] =	vst v63  }
0x5a: {  	v3 =	vld [tilespmem:$0x13C30];
	_ =	sdelay $0x4  }
0x5b: {  	v4 =	vshll.u32 v3, $0x2  }
0x5c: {  	v3 =	vand.u32 $0x7, v3;
	v4 =	vand.u32 $0xFFFFFFE0, v4  }
0x5d: {  	v3 =	vor.u32 v3, v4  }
0x5e: {  	v4 =	vperm.xlane v3, v0;
	_ =	sdelay $0x1  }
0x5f: {  	v4 =	vadd.s32 v1, v4;
	_ =	sdelay $0x1  }
0x60: {  	v3 =	vperm.xlane v3, v2;
	_ =	sdelay $0x1  }
0x61: {  	s26 =	simm.s32 $0x19D80;
	v3 =	vadd.s32 v1, v3  }
0x62: {  	[tilespmem:s26], [sflag:$0x1] =	stream.indirect_vreg.gather [hbm4b:s13+s5], $0x80, v4, vm0, $0xb8;
	[tilespmem:$0x1FD80] =	vst v63  }
0x63: {  	s29 =	simm.s32 $0x1A580  }
0x64: {  	[tilespmem:s29], [sflag:$0x1] =	stream.indirect_vreg.gather [hbm4b:s15+s5], $0x80, v4, vm0, $0xb8;
	[tilespmem:$0x1FD80] =	vst v63  }
0x65: {  	s30 =	simm.s32 $0x1AD80  }
0x66: {  	[tilespmem:s30], [sflag:$0x1] =	stream.indirect_vreg.gather [hbm4b:s13+s5], $0x80, v3, vm0, $0xb8;
	[tilespmem:$0x1FD80] =	vst v63  }
0x67: {  	s31 =	simm.s32 $0x1B580  }
0x68: {  	[tilespmem:s31], [sflag:$0x1] =	stream.indirect_vreg.gather [hbm4b:s15+s5], $0x80, v3, vm0, $0xb8;
	[tilespmem:$0x1FD80] =	vst v63  }
0x69: {  	_ =	swait.ge [sflag:s2], $0x8000  }
0x6a: {  	s4 =	sld [smem:$0x7F6]  }
0x6b: {  	[sflag:s2] =	ssyncset.done $0x0  }
0x6c: {  	s6 =	simm.s32 $0x1DD80;
	[sflag:s2] =	ssyncadd.s32 $0xFFFF8000  }
0x6d: {  	[tilespmem:s6], [sflag:$0x1] =	stream.indirect.gather [hbm4b:s4+s7], $0x80, s12, s7, $0xb8;
	[tilespmem:$0x1FD80] =	vst v63  }
0x6e: {  	_ =	swait.ge [sflag:s2], $0x2000  }
0x6f: {  	s8 =	simm.s32 $0x180;
	[sflag:s2] =	ssyncset.done $0x0  }
0x70: {  	s9 =	sand.u32 $0x7000, s5;
	s14 =	simm.s32 $0x0;
	[sflag:s2] =	ssyncadd.s32 $0xFFFFE000  }
0x71: {  	s10 =	sand.u32 $0x7, s5;
	s1 =	sadd.s32 $0x13D80, s9;
	s0 =	sand.u32 $0x380, s8;
	v24 =	vld [tilespmem:s14+$0x1DF00]  }
0x72: {  	s3 =	sadd.s32 s0, s1;
	s2 =	sshll.u32 s10, $0x7;
	v28 =	vld [tilespmem:s14+$0x1DF20]  }
0x73: {  	s11 =	sadd.s32 $0x0, s2;
	v3 =	vld [tilespmem:s3+$0x0]  }
0x74: {  	v4 =	vld [tilespmem:s3+$0x400];
	s2 =	sadd.s32 $0x180, s11  }
0x75: {  	v25 =	vld [tilespmem:s14+$0x1DF40];
	s12 =	sor.u32 $0x800, s2  }
0x76: {  	v5 =	vld [tilespmem:s12+$0x13D80]  }
0x77: {  	v26 =	vld [tilespmem:s14+$0x1DF60];
	s13 =	sor.u32 $0xC00, s2  }
0x78: {  	v6 =	vld [tilespmem:s13+$0x13D80]  }
0x79: {  	v3 =	vmul.f32 v3, v24;
	v4 =	vmul.f32 v4, v28  }
0x7a: {  	s16 =	simm.s32 $0x80;
	s15 =	simm.s32 $0x0  }
0x7b: {  	s17 =	sand.u32 $0x280, s16;
	s18 =	simm.s32 $0x100;
	s0 =	sand.u32 $0x200, s15;
	v3 =	vadd.f32 v4, v3;
	v4 =	vmul.f32 v5, v25  }
0x7c: {  	s8 =	sor.u32 s0, s1;
	s0 =	sadd.s32 s17, s1;
	s6 =	sand.u32 $0x300, s18  }
0x7d: {  	s1 =	sadd.s32 s6, s1;
	v7 =	vld [tilespmem:s0+$0x400];
	v3 =	vadd.f32 v4, v3;
	v4 =	vmul.f32 v6, v26  }
0x7e: {  	v9 =	vld [tilespmem:s1+$0x0]  }
0x7f: {  	v11 =	vld [tilespmem:s1+$0x400];
	v3 =	vadd.f32 v4, v3  }
0x80: {  	v30 =	vld [tilespmem:s14+$0x1DD80]  }
0x81: {  	v29 =	vld [tilespmem:s14+$0x1DDA0];
	[tilespmem:s14+$0x1BF00] =	vst v3  }
0x82: {  	v3 =	vld [tilespmem:s3+$0x10]  }
0x83: {  	v8 =	vld [tilespmem:s3+$0x410]  }
0x84: {  	v22 =	vld [tilespmem:s14+$0x1DE00];
	s19 =	sor.u32 $0x810, s2  }
0x85: {  	v10 =	vld [tilespmem:s19+$0x13D80]  }
0x86: {  	v20 =	vld [tilespmem:s14+$0x1DE20];
	s20 =	sor.u32 $0xC10, s2  }
0x87: {  	p0 =	por $0x0, $0x0;
	s6 =	simm.s32 $0x1;
	v12 =	vld [tilespmem:s20+$0x13D80]  }
0x88: {  	s6 =	simm.s32 @!p0 $0x0;
	v18 =	vld [tilespmem:s14+$0x1DE80];
	v3 =	vmul.f32 v3, v24;
	v8 =	vmul.f32 v8, v28  }
0x89: {  	s6 =	sshll.u32 s6, $0x9;
	v21 =	vld [tilespmem:s14+$0x1DEA0]  }
0x8a: {  	s7 =	sadd.s32 $0x0, s6;
	v19 =	vld [tilespmem:s14+$0x1DDC0];
	v3 =	vadd.f32 v8, v3;
	v8 =	vmul.f32 v10, v25  }
0x8b: {  	v17 =	vld [tilespmem:s14+$0x1DDE0];
	s22 =	sor.u32 $0xC00, s7  }
0x8c: {  	v13 =	vld [tilespmem:s22+$0x13D80];
	v3 =	vadd.f32 v8, v3;
	v8 =	vmul.f32 v12, v26  }
0x8d: {  	v5 =	vld [tilespmem:s8+$0x0]  }
0x8e: {  	v6 =	vld [tilespmem:s8+$0x400];
	v3 =	vadd.f32 v8, v3  }
0x8f: {  	s6 =	sor.u32 $0x800, s7;
	v4 =	vld [tilespmem:s0+$0x0]  }
0x90: {  	v8 =	vld [tilespmem:s6+$0x13D80];
	[tilespmem:s14+$0x1BF10] =	vst v3  }
0x91: {  	s9 =	sadd.s32 $0x80, s11;
	v3 =	vld [tilespmem:s3+$0x20]  }
0x92: {  	s4 =	sor.u32 $0x800, s9;
	v12 =	vld [tilespmem:s3+$0x420]  }
0x93: {  	s21 =	sand.u32 $0x3, s5;
	s23 =	sor.u32 $0x820, s2;
	v10 =	vld [tilespmem:s4+$0x13D80]  }
0x94: {  	s24 =	sor.u32 $0xC20, s2;
	v5 =	vmul.f32 v5, v30;
	v6 =	vmul.f32 v6, v29;
	s4 =	sshll.u32 s21, $0x8;
	v14 =	vld [tilespmem:s23+$0x13D80]  }
0x95: {  	s4 =	sadd.s32 $0x0, s4;
	v15 =	vld [tilespmem:s24+$0x13D80]  }
0x96: {  	v23 =	vld [tilespmem:s14+$0x1DE40];
	v5 =	vadd.f32 v6, v5;
	s10 =	sadd.s32 $0x100, s4;
	v6 =	vmul.f32 v8, v19  }
0x97: {  	v27 =	vld [tilespmem:s14+$0x1DEC0];
	s25 =	sor.u32 $0x800, s10;
	v3 =	vmul.f32 v3, v24;
	v12 =	vmul.f32 v12, v28  }
0x98: {  	s26 =	sor.u32 $0xC00, s9;
	v7 =	vmul.f32 v7, v20;
	v16 =	vld [tilespmem:s25+$0x13D80];
	v5 =	vadd.f32 v6, v5;
	v6 =	vmul.f32 v13, v17  }
0x99: {  	v4 =	vmul.f32 v4, v22;
	v8 =	vld [tilespmem:s26+$0x13D80];
	v14 =	vmul.f32 v14, v25;
	v12 =	vadd.f32 v12, v3  }
0x9a: {  	v13 =	vmul.f32 v15, v26;
	v5 =	vadd.f32 v6, v5;
	v3 =	vld [tilespmem:s14+$0x1DE60]  }
0x9b: {  	s29 =	sor.u32 $0xC00, s10;
	v6 =	vadd.f32 v7, v4;
	v7 =	vmul.f32 v10, v23;
	v4 =	vld [tilespmem:s14+$0x1DEE0];
	v12 =	vadd.f32 v14, v12  }
0x9c: {  	v9 =	vmul.f32 v9, v18;
	[tilespmem:s14+$0x1BD80] =	vst v5;
	v14 =	vld [tilespmem:s29+$0x13D80]  }
0x9d: {  	s5 =	sor.u32 $0x810, s7;
	v11 =	vmul.f32 v11, v21;
	v5 =	vadd.f32 v7, v6;
	v7 =	vld [tilespmem:s8+$0x10];
	v10 =	vadd.f32 v13, v12  }
0x9e: {  	v15 =	vld [tilespmem:s5+$0x13D80]  }
0x9f: {  	v6 =	vmul.f32 v8, v3;
	v8 =	vadd.f32 v11, v9;
	v11 =	vld [tilespmem:s8+$0x410];
	[tilespmem:s14+$0x1BF20] =	vst v10  }
0xa0: {  	v9 =	vmul.f32 v16, v27;
	v10 =	vld [tilespmem:s3+$0x30]  }
0xa1: {  	s11 =	sor.u32 $0xC10, s7;
	v5 =	vadd.f32 v6, v5;
	v6 =	vld [tilespmem:s3+$0x430]  }
0xa2: {  	s30 =	sor.u32 $0x830, s2;
	v16 =	vld [tilespmem:s11+$0x13D80];
	v8 =	vadd.f32 v9, v8;
	v9 =	vmul.f32 v14, v4  }
0xa3: {  	s31 =	sor.u32 $0xC30, s2;
	[tilespmem:s14+$0x1BE00] =	vst v5;
	v5 =	vld [tilespmem:s30+$0x13D80]  }
0xa4: {  	v12 =	vld [tilespmem:s31+$0x13D80];
	v8 =	vadd.f32 v9, v8  }
0xa5: {  	v9 =	vld [tilespmem:s0+$0x10]  }
0xa6: {  	[tilespmem:s14+$0x1BE80] =	vst v8;
	v8 =	vld [tilespmem:s0+$0x410];
	v10 =	vmul.f32 v10, v24;
	v6 =	vmul.f32 v6, v28  }
0xa7: {  	v13 =	vld [tilespmem:s1+$0x10]  }
0xa8: {  	s6 =	sor.u32 $0x810, s9;
	v14 =	vld [tilespmem:s1+$0x410];
	v6 =	vadd.f32 v6, v10;
	v5 =	vmul.f32 v5, v25  }
0xa9: {  	s12 =	sor.u32 $0x810, s10;
	v7 =	vmul.f32 v7, v30;
	v10 =	vld [tilespmem:s6+$0x13D80]  }
0xaa: {  	s13 =	sor.u32 $0xC10, s9;
	v11 =	vmul.f32 v11, v29;
	v5 =	vadd.f32 v5, v6;
	v6 =	vmul.f32 v12, v26;
	v12 =	vld [tilespmem:s12+$0x13D80]  }
0xab: {  	v31 =	vld [tilespmem:s13+$0x13D80];
	v9 =	vmul.f32 v9, v22;
	v8 =	vmul.f32 v8, v20  }
0xac: {  	s15 =	sor.u32 $0xC10, s10;
	v7 =	vadd.f32 v11, v7;
	v5 =	vadd.f32 v6, v5;
	v6 =	vmul.f32 v15, v19  }
0xad: {  	v11 =	vmul.f32 v13, v18;
	v13 =	vld [tilespmem:s15+$0x13D80];
	v8 =	vadd.f32 v8, v9;
	v9 =	vmul.f32 v14, v21  }
0xae: {  	[tilespmem:s14+$0x1BF30] =	vst v5;
	v5 =	vmul.f32 v10, v23;
	v6 =	vadd.f32 v6, v7;
	v7 =	vmul.f32 v16, v17  }
0xaf: {  	v9 =	vadd.f32 v9, v11;
	v10 =	vld [tilespmem:s3+$0x40];
	v11 =	vmul.f32 v12, v27  }
0xb0: {  	s16 =	sor.u32 $0x840, s2;
	v12 =	vld [tilespmem:s3+$0x440];
	v5 =	vadd.f32 v5, v8;
	v8 =	vmul.f32 v31, v3;
	v6 =	vadd.f32 v7, v6  }
0xb1: {  	s17 =	sor.u32 $0xC40, s2;
	v7 =	vld [tilespmem:s16+$0x13D80]  }
0xb2: {  	v9 =	vadd.f32 v11, v9;
	v11 =	vmul.f32 v13, v4;
	v5 =	vadd.f32 v8, v5;
	v8 =	vld [tilespmem:s17+$0x13D80];
	[tilespmem:s14+$0x1BD90] =	vst v6  }
0xb3: {  	v6 =	vld [tilespmem:s8+$0x20]  }
0xb4: {  	v9 =	vadd.f32 v11, v9;
	[tilespmem:s14+$0x1BE10] =	vst v5;
	v5 =	vld [tilespmem:s8+$0x420]  }
0xb5: {  	v11 =	vld [tilespmem:s0+$0x20]  }
0xb6: {  	v10 =	vmul.f32 v10, v24;
	v12 =	vmul.f32 v12, v28;
	[tilespmem:s14+$0x1BE90] =	vst v9;
	v9 =	vld [tilespmem:s0+$0x420]  }
0xb7: {  	s18 =	sor.u32 $0x820, s7;
	v13 =	vld [tilespmem:s1+$0x20]  }
0xb8: {  	v7 =	vmul.f32 v7, v25;
	v10 =	vadd.f32 v12, v10;
	v12 =	vld [tilespmem:s18+$0x13D80]  }
0xb9: {  	s20 =	sor.u32 $0xC20, s7;
	v14 =	vld [tilespmem:s1+$0x420]  }
0xba: {  	s19 =	sor.u32 $0x820, s9;
	v8 =	vmul.f32 v8, v26;
	v7 =	vadd.f32 v7, v10;
	v10 =	vld [tilespmem:s20+$0x13D80]  }
0xbb: {  	v15 =	vld [tilespmem:s19+$0x13D80];
	v6 =	vmul.f32 v6, v30;
	v5 =	vmul.f32 v5, v29  }
0xbc: {  	s22 =	sor.u32 $0xC20, s9;
	v7 =	vadd.f32 v8, v7;
	v8 =	vmul.f32 v11, v22;
	v9 =	vmul.f32 v9, v20  }
0xbd: {  	s21 =	sor.u32 $0x820, s10;
	v11 =	vld [tilespmem:s22+$0x13D80];
	v5 =	vadd.f32 v5, v6;
	v12 =	vmul.f32 v12, v19  }
0xbe: {  	s23 =	sor.u32 $0xC20, s10;
	v16 =	vld [tilespmem:s21+$0x13D80];
	v6 =	vmul.f32 v13, v18;
	v8 =	vadd.f32 v9, v8  }
0xbf: {  	v9 =	vmul.f32 v14, v21;
	v14 =	vld [tilespmem:s23+$0x13D80];
	[tilespmem:s14+$0x1BF40] =	vst v7;
	v5 =	vadd.f32 v12, v5;
	v7 =	vmul.f32 v10, v17  }
0xc0: {  	v13 =	vmul.f32 v15, v23;
	v10 =	vld [tilespmem:s3+$0x50]  }
0xc1: {  	s25 =	sor.u32 $0xC50, s2;
	v6 =	vadd.f32 v9, v6;
	v9 =	vld [tilespmem:s3+$0x450];
	v5 =	vadd.f32 v7, v5  }
0xc2: {  	s24 =	sor.u32 $0x850, s2;
	v8 =	vadd.f32 v13, v8;
	v13 =	vld [tilespmem:s25+$0x13D80];
	v7 =	vmul.f32 v11, v3  }
0xc3: {  	v12 =	vmul.f32 v16, v27;
	v11 =	vld [tilespmem:s24+$0x13D80];
	[tilespmem:s14+$0x1BDA0] =	vst v5  }
0xc4: {  	s26 =	sor.u32 $0x830, s7;
	v5 =	vadd.f32 v7, v8;
	v7 =	vld [tilespmem:s8+$0x30]  }
0xc5: {  	s30 =	sor.u32 $0xC30, s7;
	v6 =	vadd.f32 v12, v6;
	v12 =	vmul.f32 v14, v4;
	v15 =	vld [tilespmem:s26+$0x13D80]  }
0xc6: {  	v16 =	vld [tilespmem:s30+$0x13D80]  }
0xc7: {  	v6 =	vadd.f32 v12, v6;
	[tilespmem:s14+$0x1BE20] =	vst v5;
	v5 =	vld [tilespmem:s8+$0x430]  }
0xc8: {  	v10 =	vmul.f32 v10, v24;
	v9 =	vmul.f32 v9, v28;
	v8 =	vld [tilespmem:s0+$0x30]  }
0xc9: {  	s29 =	sor.u32 $0x830, s9;
	[tilespmem:s14+$0x1BEA0] =	vst v6;
	v6 =	vld [tilespmem:s0+$0x430]  }
0xca: {  	v9 =	vadd.f32 v9, v10;
	v10 =	vmul.f32 v11, v25;
	v11 =	vld [tilespmem:s29+$0x13D80]  }
0xcb: {  	v13 =	vmul.f32 v13, v26;
	v12 =	vld [tilespmem:s1+$0x30]  }
0xcc: {  	v14 =	vld [tilespmem:s1+$0x430];
	v9 =	vadd.f32 v10, v9;
	v7 =	vmul.f32 v7, v30;
	v5 =	vmul.f32 v5, v29  }
0xcd: {  	s6 =	sor.u32 $0xC30, s9  }
0xce: {  	s31 =	sor.u32 $0x830, s10;
	v61 =	vld [tilespmem:s6+$0x13D80];
	v9 =	vadd.f32 v13, v9;
	v5 =	vadd.f32 v5, v7;
	v7 =	vmul.f32 v15, v19  }
0xcf: {  	s11 =	sor.u32 $0xC30, s10;
	v10 =	vld [tilespmem:s31+$0x13D80];
	v8 =	vmul.f32 v8, v22;
	v6 =	vmul.f32 v6, v20  }
0xd0: {  	v13 =	vld [tilespmem:s11+$0x13D80];
	v12 =	vmul.f32 v12, v18;
	[tilespmem:s14+$0x1BF50] =	vst v9;
	v5 =	vadd.f32 v7, v5;
	v7 =	vmul.f32 v16, v17  }
0xd1: {  	s13 =	sor.u32 $0xC60, s2;
	v9 =	vmul.f32 v11, v23;
	v6 =	vadd.f32 v6, v8;
	v8 =	vmul.f32 v14, v21;
	v11 =	vld [tilespmem:s3+$0x60]  }
0xd2: {  	v14 =	vld [tilespmem:s13+$0x13D80];
	v5 =	vadd.f32 v7, v5  }
0xd3: {  	s12 =	sor.u32 $0x860, s2;
	v8 =	vadd.f32 v8, v12;
	v12 =	vld [tilespmem:s3+$0x460]  }
0xd4: {  	v6 =	vadd.f32 v9, v6;
	v9 =	vmul.f32 v61, v3;
	v7 =	vld [tilespmem:s12+$0x13D80];
	[tilespmem:s14+$0x1BDB0] =	vst v5  }
0xd5: {  	s15 =	sor.u32 $0x840, s7;
	v5 =	vld [tilespmem:s8+$0x40]  }
0xd6: {  	s17 =	sor.u32 $0xC40, s7;
	v10 =	vmul.f32 v10, v27;
	v6 =	vadd.f32 v9, v6;
	v15 =	vld [tilespmem:s15+$0x13D80]  }
0xd7: {  	v16 =	vld [tilespmem:s17+$0x13D80]  }
0xd8: {  	v8 =	vadd.f32 v10, v8;
	v10 =	vmul.f32 v13, v4;
	s17 =	simm.s32 $0x200;
	[tilespmem:s14+$0x1BE30] =	vst v6;
	v6 =	vld [tilespmem:s8+$0x440]  }
0xd9: {  	v37 =	vld [tilespmem:s17+$0x1DF00]  }
0xda: {  	v8 =	vadd.f32 v10, v8;
	v38 =	vld [tilespmem:s17+$0x1DF20]  }
0xdb: {  	v9 =	vld [tilespmem:s0+$0x40]  }
0xdc: {  	v11 =	vmul.f32 v11, v24;
	v12 =	vmul.f32 v12, v28;
	[tilespmem:s14+$0x1BEB0] =	vst v8;
	v8 =	vld [tilespmem:s0+$0x440]  }
0xdd: {  	v36 =	vld [tilespmem:s17+$0x1DF40]  }
0xde: {  	v31 =	vld [tilespmem:s17+$0x1DF60];
	v7 =	vmul.f32 v7, v25;
	v11 =	vadd.f32 v12, v11  }
0xdf: {  	s19 =	sor.u32 $0xC40, s9;
	v14 =	vmul.f32 v14, v26;
	v13 =	vld [tilespmem:s1+$0x440]  }
0xe0: {  	s16 =	sor.u32 $0x840, s9;
	v62 =	vld [tilespmem:s19+$0x13D80];
	v5 =	vmul.f32 v5, v30;
	v7 =	vadd.f32 v7, v11;
	v6 =	vmul.f32 v6, v29  }
0xe1: {  	v12 =	vld [tilespmem:s16+$0x13D80];
	v9 =	vmul.f32 v9, v22;
	v8 =	vmul.f32 v8, v20  }
0xe2: {  	s18 =	sor.u32 $0x840, s10;
	v10 =	vld [tilespmem:s1+$0x40];
	v7 =	vadd.f32 v14, v7;
	v5 =	vadd.f32 v6, v5;
	v6 =	vmul.f32 v15, v19  }
0xe3: {  	s20 =	sor.u32 $0xC40, s10;
	v11 =	vld [tilespmem:s18+$0x13D80];
	v8 =	vadd.f32 v8, v9  }
0xe4: {  	v9 =	vmul.f32 v13, v21;
	v13 =	vld [tilespmem:s20+$0x13D80];
	[tilespmem:s14+$0x1BF60] =	vst v7;
	v5 =	vadd.f32 v6, v5;
	v6 =	vmul.f32 v16, v17  }
0xe5: {  	v34 =	vld [tilespmem:s3+$0x70]  }
0xe6: {  	s21 =	sor.u32 $0x870, s2;
	s16 =	simm.s32 $0x4;
	v7 =	vmul.f32 v12, v23;
	v35 =	vld [tilespmem:s3+$0x470];
	v5 =	vadd.f32 v6, v5  }
0xe7: {  	s2 =	sor.u32 $0xC70, s2;
	s26 =	sand.u32 $0x7, s16;
	v33 =	vld [tilespmem:s21+$0x13D80]  }
0xe8: {  	v32 =	vld [tilespmem:s2+$0x13D80];
	s3 =	sshll.u32 s26, $0x7;
	v7 =	vadd.f32 v7, v8;
	v8 =	vmul.f32 v62, v3;
	[tilespmem:s14+$0x1BDC0] =	vst v5  }
0xe9: {  	v10 =	vmul.f32 v10, v18;
	s3 =	sadd.s32 $0x800, s3;
	v14 =	vld [tilespmem:s8+$0x50]  }
0xea: {  	s22 =	sor.u32 $0x850, s7;
	s5 =	sadd.s32 $0x180, s3;
	v7 =	vadd.f32 v8, v7;
	v15 =	vld [tilespmem:s8+$0x450]  }
0xeb: {  	v9 =	vadd.f32 v9, v10;
	v10 =	vmul.f32 v11, v27;
	s31 =	sor.u32 $0xC00, s5;
	v43 =	vld [tilespmem:s22+$0x13D80]  }
0xec: {  	s23 =	sor.u32 $0x850, s9;
	s11 =	sor.u32 $0xC50, s7;
	s19 =	simm.s32 $0x380;
	v8 =	vld [tilespmem:s31+$0x13D80];
	[tilespmem:s14+$0x1BE40] =	vst v7  }
0xed: {  	s18 =	simm.s32 $0x280;
	s3 =	sadd.s32 $0x80, s3;
	v6 =	vadd.f32 v10, v9;
	v9 =	vmul.f32 v13, v4;
	v44 =	vld [tilespmem:s23+$0x13D80];
	s23 =	simm.s32 $0x800  }
0xee: {  	s6 =	sand.u32 $0x280, s18;
	s18 =	sor.u32 $0xC00, s3;
	v45 =	vld [tilespmem:s11+$0x13D80];
	s25 =	sand.u32 $0x7000, s23  }
0xef: {  	s29 =	sand.u32 $0x380, s19;
	s30 =	sor.u32 $0x800, s5;
	v58 =	vld [tilespmem:s18+$0x13D80];
	v5 =	vadd.f32 v9, v6;
	s2 =	sadd.s32 $0x13D80, s25  }
0xf0: {  	v7 =	vld [tilespmem:s30+$0x13D80];
	s4 =	sadd.s32 s29, s2  }
0xf1: {  	[tilespmem:s14+$0x1BEC0] =	vst v5;
	v5 =	vld [tilespmem:s4+$0x0]  }
0xf2: {  	v6 =	vld [tilespmem:s4+$0x400]  }
0xf3: {  	v16 =	vld [tilespmem:s0+$0x50]  }
0xf4: {  	s13 =	sor.u32 $0xC50, s9;
	v42 =	vld [tilespmem:s0+$0x450]  }
0xf5: {  	v46 =	vld [tilespmem:s13+$0x13D80]  }
0xf6: {  	s12 =	simm.s32 $0x200;
	v39 =	vld [tilespmem:s1+$0x50]  }
0xf7: {  	s24 =	sor.u32 $0x850, s10;
	s15 =	sand.u32 $0x200, s12;
	v40 =	vld [tilespmem:s1+$0x450];
	v5 =	vmul.f32 v5, v37;
	v6 =	vmul.f32 v6, v38  }
0xf8: {  	s21 =	simm.s32 $0x300;
	v41 =	vld [tilespmem:s24+$0x13D80];
	s20 =	sor.u32 s15, s2  }
0xf9: {  	s22 =	sand.u32 $0x300, s21;
	s21 =	simm.s32 $0x2;
	v47 =	vld [tilespmem:s20+$0x0];
	v5 =	vadd.f32 v6, v5;
	v6 =	vmul.f32 v7, v36  }
0xfa: {  	p0 =	por !p0, !p0;
	s26 =	sand.u32 $0x3, s21;
	s11 =	sadd.s32 s6, s2;
	v48 =	vld [tilespmem:s20+$0x400]  }
0xfb: {  	s15 =	sadd.s32 s22, s2;
	s2 =	simm.s32 $0x1;
	s6 =	sshll.u32 s26, $0x8;
	v49 =	vld [tilespmem:s11+$0x0];
	v5 =	vadd.f32 v6, v5;
	v6 =	vmul.f32 v8, v31  }
0xfc: {  	v50 =	vld [tilespmem:s11+$0x400];
	s2 =	simm.s32 @!p0 $0x0;
	s6 =	sadd.s32 $0x800, s6  }
0xfd: {  	v51 =	vld [tilespmem:s15+$0x0];
	s29 =	sshll.u32 s2, $0x9;
	s2 =	sadd.s32 $0x100, s6;
	v6 =	vadd.f32 v6, v5  }
0xfe: {  	v52 =	vld [tilespmem:s15+$0x400];
	s30 =	sor.u32 $0x800, s2  }
0xff: {  	v54 =	vld [tilespmem:s30+$0x13D80];
	[tilespmem:s17+$0x1BF00] =	vst v6  }
0x100: {  	s6 =	sadd.s32 $0x800, s29;
	v9 =	vld [tilespmem:s4+$0x10]  }
0x101: {  	v14 =	vmul.f32 v14, v30;
	v15 =	vmul.f32 v15, v29;
	s31 =	sor.u32 $0x800, s6;
	v10 =	vld [tilespmem:s4+$0x410]  }
0x102: {  	s24 =	sor.u32 $0x810, s5;
	v16 =	vmul.f32 v16, v22;
	v42 =	vmul.f32 v42, v20;
	v55 =	vld [tilespmem:s31+$0x13D80]  }
0x103: {  	v14 =	vadd.f32 v15, v14;
	v15 =	vmul.f32 v43, v19;
	s26 =	sor.u32 $0xC00, s6;
	v11 =	vld [tilespmem:s24+$0x13D80]  }
0x104: {  	s25 =	sor.u32 $0xC10, s5;
	v43 =	vmul.f32 v44, v23;
	v61 =	vmul.f32 v46, v3;
	v16 =	vadd.f32 v42, v16;
	v46 =	vld [tilespmem:s26+$0x13D80]  }
0x105: {  	v63 =	vmul.f32 v45, v17;
	v14 =	vadd.f32 v15, v14;
	v12 =	vld [tilespmem:s25+$0x13D80]  }
0x106: {  	v43 =	vadd.f32 v43, v16;
	v16 =	vld [tilespmem:s17+$0x1DDE0];
	v13 =	vmul.f32 v9, v37;
	v53 =	vmul.f32 v10, v38  }
0x107: {  	v42 =	vadd.f32 v63, v14;
	v14 =	vld [tilespmem:s17+$0x1DE60]  }
0x108: {  	v7 =	vld [tilespmem:s17+$0x1DE00];
	v11 =	vmul.f32 v11, v36;
	v13 =	vadd.f32 v53, v13  }
0x109: {  	v5 =	vld [tilespmem:s17+$0x1DD80]  }
0x10a: {  	[tilespmem:s14+$0x1BDD0] =	vst v42;
	v6 =	vld [tilespmem:s17+$0x1DDA0];
	v11 =	vadd.f32 v11, v13;
	v13 =	vmul.f32 v12, v31  }
0x10b: {  	v43 =	vadd.f32 v61, v43;
	v42 =	vld [tilespmem:s8+$0x60]  }
0x10c: {  	v44 =	vld [tilespmem:s8+$0x460];
	v56 =	vadd.f32 v13, v11  }
0x10d: {  	v8 =	vld [tilespmem:s17+$0x1DE20];
	[tilespmem:s14+$0x1BE50] =	vst v43  }
0x10e: {  	v43 =	vld [tilespmem:s0+$0x460];
	[tilespmem:s17+$0x1BF10] =	vst v56  }
0x10f: {  	v47 =	vmul.f32 v47, v5;
	v48 =	vmul.f32 v48, v6;
	v56 =	vld [tilespmem:s4+$0x20]  }
0x110: {  	s29 =	sor.u32 $0xC50, s10;
	v57 =	vld [tilespmem:s4+$0x420]  }
0x111: {  	s22 =	sor.u32 $0x820, s5;
	v61 =	vadd.f32 v48, v47;
	v48 =	vld [tilespmem:s29+$0x13D80]  }
0x112: {  	v39 =	vmul.f32 v39, v18;
	v40 =	vmul.f32 v40, v21;
	v59 =	vld [tilespmem:s22+$0x13D80]  }
0x113: {  	s25 =	sor.u32 $0xC20, s5;
	v12 =	vld [tilespmem:s17+$0x1DDC0]  }
0x114: {  	v41 =	vmul.f32 v41, v27;
	v39 =	vadd.f32 v40, v39;
	s24 =	sor.u32 $0xC00, s2;
	v45 =	vld [tilespmem:s25+$0x13D80]  }
0x115: {  	v60 =	vld [tilespmem:s24+$0x13D80];
	v15 =	vmul.f32 v56, v37;
	v62 =	vmul.f32 v57, v38  }
0x116: {  	v39 =	vadd.f32 v41, v39;
	v9 =	vld [tilespmem:s17+$0x1DE80];
	v40 =	vmul.f32 v48, v4  }
0x117: {  	s13 =	sor.u32 $0x800, s3;
	v10 =	vld [tilespmem:s17+$0x1DEA0];
	v63 =	vmul.f32 v59, v36;
	v56 =	vadd.f32 v62, v15  }
0x118: {  	v53 =	vld [tilespmem:s13+$0x13D80];
	v39 =	vadd.f32 v40, v39  }
0x119: {  	v13 =	vld [tilespmem:s17+$0x1DE40];
	v45 =	vmul.f32 v45, v31;
	v62 =	vmul.f32 v55, v12;
	v63 =	vadd.f32 v63, v56  }
0x11a: {  	v11 =	vld [tilespmem:s17+$0x1DEC0];
	[tilespmem:s14+$0x1BED0] =	vst v39  }
0x11b: {  	v46 =	vmul.f32 v46, v16;
	v39 =	vld [tilespmem:s1+$0x60];
	v57 =	vadd.f32 v62, v61;
	v59 =	vadd.f32 v45, v63  }
0x11c: {  	v49 =	vmul.f32 v49, v7;
	v50 =	vmul.f32 v50, v8;
	v15 =	vld [tilespmem:s17+$0x1DEE0]  }
0x11d: {  	v51 =	vmul.f32 v51, v9;
	v40 =	vld [tilespmem:s1+$0x460];
	v46 =	vadd.f32 v46, v57;
	[tilespmem:s17+$0x1BF20] =	vst v59  }
0x11e: {  	v49 =	vadd.f32 v50, v49;
	v52 =	vmul.f32 v52, v10;
	v61 =	vmul.f32 v53, v13;
	v63 =	vld [tilespmem:s4+$0x30]  }
0x11f: {  	v57 =	vmul.f32 v58, v14;
	[tilespmem:s17+$0x1BD80] =	vst v46;
	v58 =	vld [tilespmem:s4+$0x430]  }
0x120: {  	s30 =	sor.u32 $0x830, s5;
	v62 =	vadd.f32 v52, v51;
	v56 =	vmul.f32 v54, v11;
	v49 =	vadd.f32 v61, v49;
	v53 =	vld [tilespmem:s20+$0x10]  }
0x121: {  	v59 =	vmul.f32 v60, v15;
	v60 =	vld [tilespmem:s30+$0x13D80]  }
0x122: {  	s31 =	sor.u32 $0xC30, s5;
	v47 =	vadd.f32 v56, v62;
	v49 =	vadd.f32 v57, v49;
	v54 =	vld [tilespmem:s20+$0x410]  }
0x123: {  	s13 =	sor.u32 $0x810, s6;
	v61 =	vld [tilespmem:s31+$0x13D80]  }
0x124: {  	v56 =	vld [tilespmem:s13+$0x13D80];
	v47 =	vadd.f32 v59, v47;
	[tilespmem:s17+$0x1BE00] =	vst v49;
	v51 =	vmul.f32 v63, v37;
	v46 =	vmul.f32 v58, v38  }
0x125: {  	v52 =	vld [tilespmem:s11+$0x10]  }
0x126: {  	v62 =	vld [tilespmem:s11+$0x410];
	[tilespmem:s17+$0x1BE80] =	vst v47;
	v50 =	vmul.f32 v60, v36;
	v46 =	vadd.f32 v46, v51  }
0x127: {  	v55 =	vld [tilespmem:s15+$0x10]  }
0x128: {  	s22 =	sor.u32 $0x810, s2;
	v63 =	vld [tilespmem:s15+$0x410];
	v49 =	vmul.f32 v61, v31;
	v46 =	vadd.f32 v50, v46  }
0x129: {  	s18 =	sor.u32 $0x810, s3;
	v57 =	vld [tilespmem:s22+$0x13D80]  }
0x12a: {  	s24 =	sor.u32 $0xC10, s6;
	v50 =	vld [tilespmem:s18+$0x13D80];
	v46 =	vadd.f32 v49, v46  }
0x12b: {  	s25 =	sor.u32 $0xC10, s3;
	v60 =	vmul.f32 v53, v5;
	v61 =	vmul.f32 v54, v6;
	v49 =	vld [tilespmem:s24+$0x13D80]  }
0x12c: {  	v53 =	vld [tilespmem:s25+$0x13D80];
	v52 =	vmul.f32 v52, v7;
	v62 =	vmul.f32 v62, v8;
	[tilespmem:s17+$0x1BF30] =	vst v46  }
0x12d: {  	v47 =	vmul.f32 v55, v9;
	v63 =	vmul.f32 v63, v10;
	v54 =	vld [tilespmem:s4+$0x40]  }
0x12e: {  	s26 =	sor.u32 $0xC10, s2;
	v46 =	vadd.f32 v61, v60;
	v60 =	vmul.f32 v56, v12;
	v55 =	vld [tilespmem:s4+$0x440]  }
0x12f: {  	s29 =	sor.u32 $0x840, s5;
	v47 =	vadd.f32 v63, v47;
	v56 =	vld [tilespmem:s26+$0x13D80];
	v61 =	vadd.f32 v62, v52  }
0x130: {  	v62 =	vmul.f32 v50, v13;
	v50 =	vld [tilespmem:s29+$0x13D80];
	v46 =	vadd.f32 v60, v46;
	v63 =	vmul.f32 v49, v16  }
0x131: {  	v45 =	vld [tilespmem:s0+$0x60];
	s31 =	sor.u32 $0xC40, s5  }
0x132: {  	s30 =	sor.u32 $0x860, s7;
	v57 =	vmul.f32 v57, v11;
	v59 =	vld [tilespmem:s31+$0x13D80];
	v46 =	vadd.f32 v63, v46  }
0x133: {  	s13 =	sor.u32 $0x860, s9;
	v52 =	vld [tilespmem:s30+$0x13D80];
	v41 =	vadd.f32 v62, v61;
	v60 =	vmul.f32 v54, v37;
	v61 =	vmul.f32 v55, v38  }
0x134: {  	v58 =	vmul.f32 v53, v14;
	v47 =	vadd.f32 v57, v47;
	[tilespmem:s17+$0x1BD90] =	vst v46;
	v46 =	vld [tilespmem:s13+$0x13D80]  }
0x135: {  	v62 =	vmul.f32 v56, v15;
	v50 =	vmul.f32 v50, v36;
	v48 =	vadd.f32 v61, v60;
	v51 =	vld [tilespmem:s20+$0x20]  }
0x136: {  	s18 =	sor.u32 $0x820, s6;
	v41 =	vadd.f32 v58, v41;
	v63 =	vld [tilespmem:s20+$0x420]  }
0x137: {  	s24 =	sor.u32 $0xC20, s6;
	v47 =	vadd.f32 v62, v47;
	v60 =	vmul.f32 v59, v31;
	v61 =	vld [tilespmem:s18+$0x13D80];
	v48 =	vadd.f32 v50, v48  }
0x138: {  	[tilespmem:s17+$0x1BE10] =	vst v41;
	v62 =	vld [tilespmem:s24+$0x13D80]  }
0x139: {  	[tilespmem:s17+$0x1BE90] =	vst v47;
	v47 =	vld [tilespmem:s11+$0x420];
	v48 =	vadd.f32 v60, v48  }
0x13a: {  	v50 =	vld [tilespmem:s11+$0x20]  }
0x13b: {  	v49 =	vld [tilespmem:s15+$0x20];
	[tilespmem:s17+$0x1BF40] =	vst v48  }
0x13c: {  	v48 =	vld [tilespmem:s4+$0x50]  }
0x13d: {  	v54 =	vld [tilespmem:s4+$0x450]  }
0x13e: {  	s22 =	sor.u32 $0x850, s5;
	v53 =	vld [tilespmem:s15+$0x420];
	v51 =	vmul.f32 v51, v5;
	v41 =	vmul.f32 v63, v6  }
0x13f: {  	s26 =	sor.u32 $0x820, s3;
	v56 =	vld [tilespmem:s22+$0x13D80]  }
0x140: {  	s25 =	sor.u32 $0xC50, s5;
	v60 =	vld [tilespmem:s26+$0x13D80];
	v55 =	vmul.f32 v61, v12;
	v41 =	vadd.f32 v41, v51  }
0x141: {  	s24 =	sor.u32 $0xC60, s9;
	v57 =	vmul.f32 v62, v16;
	v63 =	vld [tilespmem:s25+$0x13D80]  }
0x142: {  	s30 =	sor.u32 $0xC20, s3;
	v59 =	vld [tilespmem:s24+$0x13D80];
	v41 =	vadd.f32 v55, v41;
	v48 =	vmul.f32 v48, v37;
	v54 =	vmul.f32 v54, v38  }
0x143: {  	s29 =	sor.u32 $0x820, s2;
	v61 =	vld [tilespmem:s30+$0x13D80];
	v47 =	vmul.f32 v47, v8;
	v50 =	vmul.f32 v50, v7  }
0x144: {  	s31 =	sor.u32 $0xC20, s2;
	v51 =	vld [tilespmem:s29+$0x13D80];
	v41 =	vadd.f32 v57, v41;
	v56 =	vmul.f32 v56, v36;
	v48 =	vadd.f32 v54, v48  }
0x145: {  	s22 =	sor.u32 $0xC60, s7;
	v49 =	vmul.f32 v49, v9;
	v53 =	vmul.f32 v53, v10;
	v55 =	vld [tilespmem:s31+$0x13D80];
	v47 =	vadd.f32 v47, v50  }
0x146: {  	v62 =	vmul.f32 v60, v13;
	v57 =	vld [tilespmem:s22+$0x13D80];
	v58 =	vmul.f32 v63, v31;
	[tilespmem:s17+$0x1BDA0] =	vst v41;
	v48 =	vadd.f32 v56, v48  }
0x147: {  	v60 =	vadd.f32 v53, v49;
	v50 =	vld [tilespmem:s20+$0x30]  }
0x148: {  	s18 =	sor.u32 $0x860, s10;
	v63 =	vadd.f32 v62, v47;
	v54 =	vmul.f32 v61, v14;
	v53 =	vld [tilespmem:s20+$0x430];
	v48 =	vadd.f32 v58, v48  }
0x149: {  	s25 =	sor.u32 $0xC60, s10;
	v56 =	vld [tilespmem:s18+$0x13D80]  }
0x14a: {  	v61 =	vmul.f32 v51, v11;
	v41 =	vadd.f32 v54, v63;
	v58 =	vld [tilespmem:s25+$0x13D80];
	[tilespmem:s17+$0x1BF50] =	vst v48  }
0x14b: {  	v51 =	vld [tilespmem:s4+$0x60]  }
0x14c: {  	v63 =	vmul.f32 v55, v15;
	[tilespmem:s17+$0x1BE20] =	vst v41;
	v48 =	vadd.f32 v61, v60;
	v62 =	vld [tilespmem:s4+$0x460]  }
0x14d: {  	s26 =	sor.u32 $0x860, s5;
	v49 =	vld [tilespmem:s11+$0x30]  }
0x14e: {  	s29 =	sor.u32 $0xC60, s5;
	v60 =	vld [tilespmem:s26+$0x13D80];
	v48 =	vadd.f32 v63, v48  }
0x14f: {  	v42 =	vmul.f32 v42, v30;
	v44 =	vmul.f32 v44, v29;
	v61 =	vld [tilespmem:s29+$0x13D80]  }
0x150: {  	v43 =	vmul.f32 v43, v20;
	v45 =	vmul.f32 v45, v22;
	[tilespmem:s17+$0x1BEA0] =	vst v48;
	v48 =	vld [tilespmem:s11+$0x430]  }
0x151: {  	v42 =	vadd.f32 v44, v42;
	s18 =	sor.u32 $0x830, s2;
	v55 =	vld [tilespmem:s15+$0x30];
	v51 =	vmul.f32 v51, v37;
	v47 =	vmul.f32 v62, v38  }
0x152: {  	v43 =	vadd.f32 v43, v45;
	s30 =	sor.u32 $0x830, s6;
	v63 =	vmul.f32 v46, v23;
	v45 =	vld [tilespmem:s18+$0x13D80];
	v62 =	vmul.f32 v52, v19  }
0x153: {  	v41 =	vmul.f32 v60, v36;
	v52 =	vld [tilespmem:s30+$0x13D80];
	v47 =	vadd.f32 v47, v51  }
0x154: {  	s25 =	sor.u32 $0xC30, s2;
	v43 =	vadd.f32 v63, v43;
	v60 =	vmul.f32 v57, v17;
	v51 =	vld [tilespmem:s15+$0x430];
	v42 =	vadd.f32 v62, v42  }
0x155: {  	s31 =	sor.u32 $0x830, s3;
	v54 =	vmul.f32 v61, v31;
	v57 =	vmul.f32 v59, v3;
	v59 =	vld [tilespmem:s25+$0x13D80];
	v41 =	vadd.f32 v41, v47  }
0x156: {  	s22 =	sor.u32 $0xC30, s6;
	v63 =	vmul.f32 v49, v7;
	v61 =	vmul.f32 v50, v5;
	v47 =	vld [tilespmem:s31+$0x13D80];
	v42 =	vadd.f32 v60, v42  }
0x157: {  	s24 =	sor.u32 $0xC30, s3;
	v62 =	vmul.f32 v53, v6;
	v48 =	vmul.f32 v48, v8;
	v41 =	vadd.f32 v54, v41;
	v54 =	vld [tilespmem:s22+$0x13D80]  }
0x158: {  	v39 =	vmul.f32 v39, v18;
	v40 =	vmul.f32 v40, v21;
	v53 =	vld [tilespmem:s24+$0x13D80];
	[tilespmem:s14+$0x1BDE0] =	vst v42  }
0x159: {  	v44 =	vadd.f32 v62, v61;
	v62 =	vadd.f32 v48, v63;
	v63 =	vmul.f32 v51, v10;
	v51 =	vld [tilespmem:s8+$0x70]  }
0x15a: {  	v60 =	vmul.f32 v55, v9;
	v61 =	vmul.f32 v52, v12;
	v50 =	vld [tilespmem:s8+$0x470];
	[tilespmem:s17+$0x1BF60] =	vst v41  }
0x15b: {  	v43 =	vadd.f32 v57, v43;
	v45 =	vmul.f32 v45, v11;
	v52 =	vld [tilespmem:s4+$0x70];
	v47 =	vmul.f32 v47, v13  }
0x15c: {  	s29 =	sor.u32 $0xC70, s5;
	v44 =	vadd.f32 v61, v44;
	v61 =	vadd.f32 v40, v39;
	v48 =	vld [tilespmem:s4+$0x470];
	v55 =	vmul.f32 v54, v16  }
0x15d: {  	s26 =	sor.u32 $0x870, s5;
	[tilespmem:s14+$0x1BE60] =	vst v43;
	v46 =	vadd.f32 v63, v60;
	v43 =	vld [tilespmem:s29+$0x13D80];
	v42 =	vadd.f32 v47, v62;
	v62 =	vmul.f32 v56, v27  }
0x15e: {  	v57 =	vmul.f32 v53, v14;
	v47 =	vld [tilespmem:s26+$0x13D80];
	v44 =	vadd.f32 v55, v44  }
0x15f: {  	v45 =	vadd.f32 v45, v46;
	v46 =	vld [tilespmem:s0+$0x470];
	v54 =	vadd.f32 v62, v61;
	v55 =	vmul.f32 v58, v4  }
0x160: {  	v26 =	vmul.f32 v32, v26;
	s24 =	sor.u32 $0x870, s9;
	[tilespmem:s17+$0x1BDB0] =	vst v44;
	v44 =	vld [tilespmem:s0+$0x70]  }
0x161: {  	v41 =	vmul.f32 v59, v15;
	v42 =	vadd.f32 v57, v42;
	v32 =	vadd.f32 v55, v54;
	v55 =	vld [tilespmem:s24+$0x13D80]  }
0x162: {  	v59 =	vld [tilespmem:s20+$0x40]  }
0x163: {  	v41 =	vadd.f32 v41, v45;
	[tilespmem:s17+$0x1BE30] =	vst v42;
	v60 =	vld [tilespmem:s20+$0x440]  }
0x164: {  	v45 =	vld [tilespmem:s11+$0x40]  }
0x165: {  	v24 =	vmul.f32 v34, v24;
	v28 =	vmul.f32 v35, v28;
	[tilespmem:s17+$0x1BEB0] =	vst v41;
	v41 =	vld [tilespmem:s11+$0x440]  }
0x166: {  	s30 =	sor.u32 $0x840, s6;
	v49 =	vld [tilespmem:s15+$0x40]  }
0x167: {  	v25 =	vmul.f32 v33, v25;
	v24 =	vadd.f32 v28, v24;
	s31 =	sor.u32 $0x840, s3;
	v63 =	vld [tilespmem:s30+$0x13D80]  }
0x168: {  	s12 =	sor.u32 $0xC40, s6;
	v30 =	vmul.f32 v51, v30;
	v29 =	vmul.f32 v50, v29;
	v53 =	vld [tilespmem:s31+$0x13D80]  }
0x169: {  	v24 =	vadd.f32 v25, v24;
	v25 =	vmul.f32 v52, v37;
	v56 =	vmul.f32 v48, v38;
	v57 =	vld [tilespmem:s12+$0x13D80]  }
0x16a: {  	s13 =	sor.u32 $0xC40, s3;
	v34 =	vld [tilespmem:s15+$0x440];
	v58 =	vmul.f32 v59, v5;
	v59 =	vmul.f32 v60, v6  }
0x16b: {  	v26 =	vadd.f32 v26, v24;
	s8 =	sor.u32 $0x840, s2;
	v31 =	vmul.f32 v43, v31;
	v60 =	vld [tilespmem:s13+$0x13D80];
	v24 =	vmul.f32 v45, v7  }
0x16c: {  	s18 =	sor.u32 $0xC40, s2;
	v35 =	vld [tilespmem:s8+$0x13D80];
	v41 =	vmul.f32 v41, v8;
	v63 =	vmul.f32 v63, v12;
	v62 =	vadd.f32 v59, v58  }
0x16d: {  	v61 =	vld [tilespmem:s18+$0x13D80];
	v36 =	vmul.f32 v47, v36;
	[tilespmem:s14+$0x1BEE0] =	vst v32;
	v28 =	vmul.f32 v53, v13  }
0x16e: {  	s22 =	sor.u32 $0x870, s7;
	v48 =	vld [tilespmem:s1+$0x70];
	v50 =	vmul.f32 v57, v16;
	v24 =	vadd.f32 v41, v24;
	v32 =	vadd.f32 v63, v62  }
0x16f: {  	v25 =	vadd.f32 v56, v25;
	v52 =	vmul.f32 v49, v9;
	v34 =	vmul.f32 v34, v10;
	v53 =	vld [tilespmem:s22+$0x13D80]  }
0x170: {  	s26 =	sor.u32 $0xC70, s7;
	v51 =	vld [tilespmem:s1+$0x470];
	v24 =	vadd.f32 v28, v24;
	v54 =	vmul.f32 v60, v14;
	v32 =	vadd.f32 v50, v32  }
0x171: {  	s25 =	sor.u32 $0x870, s10;
	v29 =	vadd.f32 v29, v30;
	v35 =	vmul.f32 v35, v11;
	v57 =	vld [tilespmem:s26+$0x13D80];
	v34 =	vadd.f32 v34, v52  }
0x172: {  	p0 =	por !p0, !p0;
	s28 =	sor.u32 $0xC50, s6;
	v20 =	vmul.f32 v46, v20;
	s30 =	sor.u32 $0xC50, s2;
	v25 =	vadd.f32 v36, v25;
	v56 =	vld [tilespmem:s25+$0x13D80];
	v24 =	vadd.f32 v54, v24;
	[tilespmem:s17+$0x1BDC0] =	vst v32  }
0x173: {  	s5 =	sor.u32 $0xC70, s3;
	s4 =	sor.u32 $0xC70, s9;
	v22 =	vmul.f32 v44, v22;
	v59 =	vmul.f32 v61, v15;
	v58 =	vadd.f32 v35, v34;
	v60 =	vld [tilespmem:s20+$0x50];
	[dreg:$0x5] =	wrdreg s30  }
0x174: {  	s29 =	sor.u32 $0x850, s6;
	s9 =	sor.u32 $0x860, s2;
	s31 =	sor.u32 $0x860, s6;
	v31 =	vadd.f32 v31, v25;
	v23 =	vmul.f32 v55, v23;
	v19 =	vmul.f32 v53, v19;
	[tilespmem:s17+$0x1BE40] =	vst v24;
	v61 =	vld [tilespmem:s20+$0x450]  }
0x175: {  	s7 =	sor.u32 $0x870, s6;
	s0 =	sor.u32 $0x870, s3;
	v18 =	vmul.f32 v48, v18;
	v25 =	vadd.f32 v59, v58;
	v24 =	vmul.f32 v51, v21;
	v21 =	vld [tilespmem:s11+$0x50];
	[dreg:$0x6] =	wrdreg s31  }
0x176: {  	s24 =	sor.u32 $0xC60, s2;
	s12 =	sor.u32 $0xC60, s6;
	s8 =	sor.u32 $0x870, s2;
	v62 =	vadd.f32 v20, v22;
	v28 =	vmul.f32 v57, v17;
	v19 =	vadd.f32 v19, v29;
	v20 =	vld [tilespmem:s29+$0x13D80]  }
0x177: {  	s18 =	simm.s32 $0x4;
	s1 =	sor.u32 $0xC70, s10;
	s25 =	sor.u32 $0x850, s2;
	v27 =	vmul.f32 v56, v27;
	v63 =	vadd.f32 v24, v18;
	[tilespmem:s17+$0x1BEC0] =	vst v25;
	v24 =	vld [tilespmem:s11+$0x450]  }
0x178: {  	s10 =	sor.u32 $0xC60, s3;
	s26 =	sor.u32 $0x850, s3;
	s22 =	sor.u32 $0xC50, s3;
	v19 =	vadd.f32 v28, v19;
	[tilespmem:s14+$0x1BF70] =	vst v26;
	v18 =	vadd.f32 v23, v62;
	v22 =	vld [tilespmem:s15+$0x50]  }
0x179: {  	s13 =	sor.u32 $0x860, s3;
	s3 =	sor.u32 $0xC70, s6;
	s6 =	sor.u32 $0xC70, s2;
	[tilespmem:s17+$0x1BF70] =	vst v31;
	v23 =	vld [tilespmem:s15+$0x450];
	v25 =	vmul.f32 v60, v5;
	v17 =	vadd.f32 v27, v63;
	v26 =	vmul.f32 v61, v6  }
.LBB2_3:
0x17a: {  	[smem:$0x7DE] =	sst s13  }
0x17b: {  	[smem:$0x7EB] =	sst s24  }
0x17c: {  	[dreg:$0x1c] =	wrdreg s5  }
0x17d: {  	[dreg:$0x1b] =	wrdreg s4  }
0x17e: {  	[dreg:$0x1a] =	wrdreg s6;
	v27 =	vld [tilespmem:s26+$0x13D80]  }
0x17f: {  	[dreg:$0x18] =	wrdreg s1;
	s23 =	sadd.s32 $0x800, s23;
	v25 =	vadd.f32 v26, v25;
	v26 =	vld [tilespmem:s25+$0x13D80];
	[tilespmem:s14+$0x1BDF0] =	vst v19  }
0x180: {  	[dreg:$0x8] =	wrdreg s3;
	s16 =	sadd.s32 $0x4, s16;
	s30 =	sshra.s32 s23, $0x2;
	v28 =	vld [tilespmem:s28+$0x13D80];
	v21 =	vmul.f32 v21, v7;
	v24 =	vmul.f32 v24, v8  }
0x181: {  	s19 =	sadd.s32 $0x200, s19;
	[dreg:$0x4] =	wrdreg s16;
	s2 =	sand.u32 $0x7000, s23;
	v19 =	vld [tilespmem:s30+$0x1DF00]  }
0x182: {  	s16 =	sand.u32 $0x7, s16;
	s2 =	sadd.s32 $0x13D80, s2;
	v22 =	vmul.f32 v22, v9;
	v23 =	vmul.f32 v23, v10;
	v21 =	vadd.f32 v24, v21;
	v24 =	vld [tilespmem:s22+$0x13D80];
	s22 =	sand.u32 $0x380, s19  }
0x183: {  	s21 =	sadd.s32 $0x2, s21;
	s24 =	sshll.u32 s16, $0x7;
	v29 =	vmul.f32 v20, v12;
	v20 =	vld [tilespmem:s30+$0x1DF20];
	s3 =	sadd.s32 s22, s2  }
0x184: {  	[dreg:$0x9] =	wrdreg s7;
	s13 =	sand.u32 $0x3, s21;
	s5 =	sadd.s32 s24, s23;
	v27 =	vmul.f32 v27, v13;
	v22 =	vadd.f32 v23, v22;
	v23 =	vld [tilespmem:s3+$0x0]  }
0x185: {  	s25 =	sadd.s32 $0xFFFFFE80, s19;
	s26 =	sadd.s32 $0xFFFFFF00, s19;
	s28 =	sadd.s32 $0x180, s5;
	v26 =	vmul.f32 v26, v11;
	v57 =	vld [tilespmem:s3+$0x400]  }
0x186: {  	s29 =	sadd.s32 $0xFFFFFF80, s19;
	s1 =	sshll.u32 s13, $0x8;
	s31 =	sor.u32 $0x800, s28;
	v27 =	vadd.f32 v27, v21;
	v21 =	vld [tilespmem:s30+$0x1DF40]  }
0x187: {  	s6 =	sand.u32 $0x200, s25;
	s4 =	sand.u32 $0x280, s26;
	s7 =	sand.u32 $0x300, s29;
	v35 =	vadd.f32 v26, v22;
	v26 =	vld [tilespmem:s31+$0x13D80]  }
0x188: {  	s29 =	sor.u32 s6, s2;
	s16 =	sadd.s32 s4, s2;
	v25 =	vadd.f32 v29, v25;
	v28 =	vmul.f32 v28, v16;
	s2 =	sadd.s32 s7, s2;
	v22 =	vld [tilespmem:s30+$0x1DF60]  }
0x189: {  	[dreg:$0x7] =	wrdreg s0;
	s1 =	sadd.s32 s23, s1;
	v33 =	vld [tilespmem:s2+$0x0];
	v24 =	vmul.f32 v24, v14  }
0x18a: {  	s0 =	simm.s32 $0x1;
	s6 =	sor.u32 $0xC00, s28;
	s7 =	sadd.s32 $0x100, s1;
	v34 =	vld [tilespmem:s2+$0x400];
	v25 =	vadd.f32 v28, v25  }
0x18b: {  	[smem:$0x7E5] =	sst s9;
	s0 =	simm.s32 @!p0 $0x0;
	s9 =	sor.u32 $0xC00, s7;
	v24 =	vadd.f32 v24, v27;
	v27 =	vld [tilespmem:s6+$0x13D80]  }
0x18c: {  	s0 =	sshll.u32 s0, $0x9;
	v42 =	vld [tilespmem:s9+$0x13D80];
	[tilespmem:s17+$0x1BDD0] =	vst v25;
	v23 =	vmul.f32 v23, v19;
	v58 =	vmul.f32 v57, v20  }
0x18d: {  	[dreg:$0x19] =	wrdreg s14;
	s14 =	sadd.s32 s0, s23;
	v25 =	vld [tilespmem:s29+$0x0]  }
0x18e: {  	s22 =	sor.u32 $0xC10, s14;
	v32 =	vld [tilespmem:s30+$0x1DD80];
	v26 =	vmul.f32 v26, v21;
	v23 =	vadd.f32 v58, v23  }
0x18f: {  	s0 =	sor.u32 $0x800, s14;
	[smem:$0x7DB] =	sst s22;
	s25 =	sor.u32 $0xC10, s7;
	v31 =	vld [tilespmem:s30+$0x1DDA0]  }
0x190: {  	s4 =	sadd.s32 $0x80, s5;
	s22 =	sor.u32 $0x820, s7;
	[smem:$0x7DD] =	sst s25;
	v60 =	vld [tilespmem:s0+$0x13D80];
	v23 =	vadd.f32 v26, v23;
	v26 =	vmul.f32 v27, v22  }
0x191: {  	[smem:$0x7E1] =	sst s22;
	s25 =	sor.u32 $0xC20, s4;
	[tilespmem:s17+$0x1BE50] =	vst v24;
	v24 =	vld [tilespmem:s29+$0x400]  }
0x192: {  	s22 =	sor.u32 $0x830, s4;
	[smem:$0x7E3] =	sst s25;
	v30 =	vld [tilespmem:s16+$0x0];
	v23 =	vadd.f32 v26, v23  }
0x193: {  	[smem:$0x7EE] =	sst s22;
	s25 =	sor.u32 $0xC30, s14;
	v59 =	vld [tilespmem:s16+$0x400]  }
0x194: {  	s22 =	sor.u32 $0x840, s14;
	[smem:$0x7F0] =	sst s25;
	v29 =	vld [tilespmem:s30+$0x1DE00];
	[tilespmem:s30+$0x1BF00] =	vst v23  }
0x195: {  	[dreg:$0x16] =	wrdreg s22;
	s25 =	sor.u32 $0x840, s7;
	v26 =	vld [tilespmem:s3+$0x10]  }
0x196: {  	s22 =	sor.u32 $0xC40, s7;
	[dreg:$0x11] =	wrdreg s25;
	s25 =	sor.u32 $0x850, s7;
	v27 =	vld [tilespmem:s3+$0x410]  }
0x197: {  	[dreg:$0xc] =	wrdreg s25;
	s25 =	smov.u32 s15;
	s15 =	sor.u32 $0x810, s28;
	v36 =	vmul.f32 v24, v31;
	v24 =	vld [tilespmem:s30+$0x1DE80]  }
0x198: {  	[dreg:$0xd] =	wrdreg s22;
	s22 =	sor.u32 $0xC50, s14;
	v37 =	vld [tilespmem:s15+$0x13D80]  }
0x199: {  	[dreg:$0x1e] =	wrdreg s22;
	s22 =	smov.u32 s11;
	s11 =	sor.u32 $0xC10, s28;
	v25 =	vmul.f32 v25, v32;
	v23 =	vld [tilespmem:s30+$0x1DE20]  }
0x19a: {  	[smem:$0x7E7] =	sst s12;
	v38 =	vld [tilespmem:s11+$0x13D80]  }
0x19b: {  	[smem:$0x7E9] =	sst s10;
	s1 =	sor.u32 $0xC00, s14;
	v36 =	vadd.f32 v36, v25;
	v25 =	vld [tilespmem:s30+$0x1DEA0];
	v26 =	vmul.f32 v26, v19;
	v27 =	vmul.f32 v27, v20  }
0x19c: {  	[dreg:$0xa] =	wrdreg s8;
	s26 =	sor.u32 $0x820, s14;
	v43 =	vld [tilespmem:s1+$0x13D80];
	s6 =	sor.u32 $0x800, s7  }
0x19d: {  	s13 =	sor.u32 $0x800, s4;
	s24 =	sor.u32 $0xC10, s4;
	[smem:$0x7DF] =	sst s26;
	v40 =	vld [tilespmem:s6+$0x13D80];
	v26 =	vadd.f32 v27, v26;
	v27 =	vmul.f32 v37, v21  }
0x19e: {  	s12 =	sor.u32 $0xC00, s4;
	[smem:$0x7DC] =	sst s24;
	s24 =	sor.u32 $0xC20, s14;
	v39 =	vld [tilespmem:s13+$0x13D80];
	v30 =	vmul.f32 v30, v29  }
0x19f: {  	[smem:$0x7E2] =	sst s24;
	s8 =	sor.u32 $0x810, s7;
	v61 =	vld [tilespmem:s12+$0x13D80];
	v28 =	vmul.f32 v59, v23;
	v38 =	vmul.f32 v38, v22;
	v41 =	vadd.f32 v27, v26  }
0x1a0: {  	s26 =	sor.u32 $0xC20, s7;
	[smem:$0x7DA] =	sst s8;
	v33 =	vmul.f32 v33, v24;
	v34 =	vmul.f32 v34, v25;
	v27 =	vld [tilespmem:s30+$0x1DE40]  }
0x1a1: {  	s24 =	sor.u32 $0x830, s7;
	[smem:$0x7E4] =	sst s26;
	v30 =	vadd.f32 v28, v30;
	v28 =	vld [tilespmem:s30+$0x1DDC0];
	v38 =	vadd.f32 v38, v41  }
0x1a2: {  	s8 =	sor.u32 $0x820, s4;
	[smem:$0x7EF] =	sst s24;
	v33 =	vadd.f32 v34, v33;
	v34 =	vld [tilespmem:s30+$0x1DE60]  }
0x1a3: {  	s26 =	sor.u32 $0xC30, s4;
	[smem:$0x7E0] =	sst s8;
	v26 =	vld [tilespmem:s30+$0x1DEC0];
	[tilespmem:s30+$0x1BF10] =	vst v38  }
0x1a4: {  	s24 =	sor.u32 $0x840, s4;
	[dreg:$0x1f] =	wrdreg s26;
	v63 =	vld [tilespmem:s3+$0x20]  }
0x1a5: {  	s9 =	sor.u32 $0x820, s28;
	[dreg:$0x15] =	wrdreg s24;
	s24 =	sor.u32 $0x850, s14;
	v48 =	vmul.f32 v39, v27;
	v49 =	vld [tilespmem:s3+$0x420]  }
0x1a6: {  	[dreg:$0xb] =	wrdreg s24;
	s24 =	sor.u32 $0x860, s7;
	v51 =	vld [tilespmem:s9+$0x13D80]  }
0x1a7: {  	[smem:$0x7E6] =	sst s24;
	s24 =	sor.u32 $0xC60, s4;
	v38 =	vadd.f32 v48, v30;
	v30 =	vld [tilespmem:s30+$0x1DDE0]  }
0x1a8: {  	v46 =	vld [tilespmem:s20+$0x60];
	[smem:$0x7EA] =	sst s24;
	s24 =	sor.u32 $0xC60, s14;
	s12 =	sor.u32 $0xC20, s28;
	v62 =	vmul.f32 v60, v28  }
0x1a9: {  	[smem:$0x7E8] =	sst s24;
	s24 =	sor.u32 $0x870, s4;
	v41 =	vmul.f32 v61, v34;
	v50 =	vmul.f32 v40, v26;
	v45 =	vld [tilespmem:s12+$0x13D80]  }
0x1aa: {  	[dreg:$0x10] =	wrdreg s24;
	s24 =	sor.u32 $0xC60, s7;
	v56 =	vld [tilespmem:s22+$0x60];
	v36 =	vadd.f32 v62, v36;
	v37 =	vmul.f32 v63, v19;
	v39 =	vmul.f32 v49, v20  }
0x1ab: {  	v55 =	vld [tilespmem:s20+$0x460];
	[smem:$0x7EC] =	sst s24;
	v44 =	vadd.f32 v50, v33;
	v58 =	vadd.f32 v41, v38  }
0x1ac: {  	s24 =	sor.u32 $0x870, s14;
	s13 =	rddreg [dreg:$0x5];
	v33 =	vld [tilespmem:s30+$0x1DEE0];
	v52 =	vmul.f32 v51, v21;
	v37 =	vadd.f32 v39, v37;
	v43 =	vmul.f32 v43, v30  }
0x1ad: {  	[dreg:$0x17] =	wrdreg s24;
	s24 =	sor.u32 $0x870, s7;
	v53 =	vld [tilespmem:s13+$0x13D80]  }
0x1ae: {  	v57 =	vld [tilespmem:s22+$0x460];
	[dreg:$0x12] =	wrdreg s24;
	s24 =	sor.u32 $0xC70, s14;
	v54 =	vmul.f32 v45, v22;
	[tilespmem:s30+$0x1BE00] =	vst v58;
	v37 =	vadd.f32 v52, v37;
	v36 =	vadd.f32 v43, v36  }
0x1af: {  	[dreg:$0xe] =	wrdreg s24;
	v49 =	vmul.f32 v56, v7;
	v56 =	vld [tilespmem:s16+$0x410]  }
0x1b0: {  	s8 =	sor.u32 $0x830, s14;
	s24 =	rddreg [dreg:$0x6];
	v37 =	vadd.f32 v54, v37;
	[tilespmem:s30+$0x1BD80] =	vst v36;
	v54 =	vld [tilespmem:s16+$0x10]  }
0x1b1: {  	s26 =	sor.u32 $0xC40, s14;
	[smem:$0x7ED] =	sst s8;
	v42 =	vmul.f32 v42, v33;
	v59 =	vld [tilespmem:s24+$0x13D80]  }
0x1b2: {  	s8 =	sor.u32 $0xC30, s7;
	[dreg:$0x14] =	wrdreg s26;
	v40 =	vmul.f32 v53, v15;
	v60 =	vld [tilespmem:s29+$0x10];
	[tilespmem:s30+$0x1BF20] =	vst v37  }
0x1b3: {  	s5 =	sor.u32 $0x860, s4;
	[dreg:$0x1d] =	wrdreg s8;
	s8 =	sor.u32 $0xC40, s4;
	v42 =	vadd.f32 v42, v44;
	v62 =	vld [tilespmem:s3+$0x30]  }
0x1b4: {  	s31 =	sor.u32 $0x810, s4;
	s26 =	sor.u32 $0x850, s4;
	[dreg:$0xf] =	wrdreg s8;
	v35 =	vadd.f32 v40, v35;
	v48 =	vld [tilespmem:s3+$0x430]  }
0x1b5: {  	s8 =	sor.u32 $0xC50, s4;
	s11 =	sor.u32 $0xC70, s4;
	s4 =	sor.u32 $0x830, s28;
	[tilespmem:s30+$0x1BE80] =	vst v42;
	v50 =	vld [tilespmem:s29+$0x410]  }
0x1b6: {  	s10 =	sor.u32 $0x810, s14;
	[dreg:$0x13] =	wrdreg s8;
	[tilespmem:s17+$0x1BED0] =	vst v35;
	v51 =	vld [tilespmem:s4+$0x13D80]  }
0x1b7: {  	s8 =	sor.u32 $0xC50, s7;
	s6 =	sor.u32 $0xC30, s28;
	s9 =	sld [smem:$0x7DB];
	v39 =	vmul.f32 v57, v8;
	v57 =	vld [tilespmem:s2+$0x10]  }
0x1b8: {  	s15 =	sor.u32 $0x860, s14;
	s14 =	smov.u32 s8;
	s8 =	sld [smem:$0x7DA];
	v61 =	vmul.f32 v46, v5;
	v63 =	vmul.f32 v55, v6;
	v55 =	vld [tilespmem:s6+$0x13D80]  }
0x1b9: {  	v58 =	vld [tilespmem:s2+$0x410];
	v36 =	vmul.f32 v62, v19;
	v40 =	vmul.f32 v48, v20  }
0x1ba: {  	s12 =	sld [smem:$0x7DD];
	v47 =	vld [tilespmem:s9+$0x13D80];
	v37 =	vadd.f32 v63, v61;
	v41 =	vmul.f32 v54, v29  }
0x1bb: {  	v63 =	vld [tilespmem:s8+$0x13D80];
	v52 =	vmul.f32 v59, v12;
	v59 =	vmul.f32 v51, v21;
	v36 =	vadd.f32 v40, v36  }
0x1bc: {  	v39 =	vadd.f32 v39, v49;
	v53 =	vmul.f32 v60, v32;
	v43 =	vmul.f32 v50, v31;
	v60 =	vld [tilespmem:s10+$0x13D80]  }
0x1bd: {  	v50 =	vld [tilespmem:s12+$0x13D80];
	v45 =	vmul.f32 v57, v24;
	v62 =	vmul.f32 v55, v22;
	v36 =	vadd.f32 v59, v36  }
0x1be: {  	v61 =	vld [tilespmem:s31+$0x13D80];
	s10 =	sld [smem:$0x7DC];
	v49 =	vmul.f32 v58, v25;
	v35 =	vadd.f32 v52, v37;
	v37 =	vmul.f32 v56, v23  }
0x1bf: {  	v58 =	vld [tilespmem:s25+$0x460];
	v36 =	vadd.f32 v62, v36  }
0x1c0: {  	v42 =	vmul.f32 v63, v26;
	v55 =	vld [tilespmem:s25+$0x60];
	v37 =	vadd.f32 v37, v41;
	v41 =	vadd.f32 v49, v45  }
0x1c1: {  	s1 =	smov.u32 s15;
	s15 =	sld [smem:$0x7DE];
	v38 =	vadd.f32 v43, v53;
	v48 =	vld [tilespmem:s10+$0x13D80];
	[tilespmem:s30+$0x1BF30] =	vst v36  }
0x1c2: {  	v43 =	vmul.f32 v60, v28;
	v57 =	vmul.f32 v50, v33;
	v41 =	vadd.f32 v42, v41;
	v52 =	vld [tilespmem:s3+$0x40]  }
0x1c3: {  	v54 =	vmul.f32 v47, v30;
	v53 =	vld [tilespmem:s3+$0x440]  }
0x1c4: {  	s13 =	sor.u32 $0x840, s28;
	v51 =	vmul.f32 v61, v27;
	v38 =	vadd.f32 v43, v38;
	v60 =	vadd.f32 v57, v41;
	v62 =	vld [tilespmem:s15+$0x13D80]  }
0x1c5: {  	[dreg:$0x5] =	wrdreg s14;
	s14 =	sor.u32 $0xC40, s28;
	v56 =	vld [tilespmem:s13+$0x13D80]  }
0x1c6: {  	v40 =	vmul.f32 v48, v34;
	v38 =	vadd.f32 v54, v38;
	v36 =	vadd.f32 v51, v37;
	[tilespmem:s30+$0x1BE90] =	vst v60;
	v59 =	vld [tilespmem:s14+$0x13D80]  }
0x1c7: {  	v48 =	vmul.f32 v55, v9;
	v55 =	vld [tilespmem:s2+$0x20]  }
0x1c8: {  	[tilespmem:s30+$0x1BD90] =	vst v38;
	v57 =	vld [tilespmem:s2+$0x420];
	v36 =	vadd.f32 v40, v36;
	v61 =	vmul.f32 v52, v19;
	v43 =	vmul.f32 v53, v20  }
0x1c9: {  	v63 =	vld [tilespmem:s29+$0x20]  }
0x1ca: {  	s24 =	sld [smem:$0x7DF];
	v49 =	vld [tilespmem:s29+$0x420];
	[tilespmem:s30+$0x1BE10] =	vst v36;
	v51 =	vmul.f32 v56, v21;
	v50 =	vadd.f32 v43, v61  }
0x1cb: {  	s31 =	sld [smem:$0x7E0];
	v54 =	vld [tilespmem:s16+$0x420]  }
0x1cc: {  	s8 =	sld [smem:$0x7E3];
	v52 =	vld [tilespmem:s16+$0x20];
	v40 =	vmul.f32 v59, v22;
	v38 =	vadd.f32 v51, v50  }
0x1cd: {  	s9 =	sld [smem:$0x7E4];
	v53 =	vmul.f32 v58, v10;
	v58 =	vld [tilespmem:s24+$0x13D80]  }
0x1ce: {  	v59 =	vld [tilespmem:s31+$0x13D80];
	v38 =	vadd.f32 v40, v38  }
0x1cf: {  	v41 =	vmul.f32 v55, v24;
	v55 =	vld [tilespmem:s8+$0x13D80]  }
0x1d0: {  	s13 =	smov.u32 s5;
	s5 =	sld [smem:$0x7E2];
	v56 =	vmul.f32 v63, v32;
	v63 =	vmul.f32 v57, v25;
	v57 =	vld [tilespmem:s9+$0x13D80];
	[tilespmem:s30+$0x1BF40] =	vst v38  }
0x1d1: {  	v61 =	vld [tilespmem:s3+$0x50]  }
0x1d2: {  	[dreg:$0x6] =	wrdreg s1;
	v44 =	vmul.f32 v62, v13;
	v62 =	vld [tilespmem:s3+$0x450]  }
0x1d3: {  	s1 =	sld [smem:$0x7E1];
	s4 =	sor.u32 $0x850, s28;
	v36 =	vadd.f32 v53, v48;
	v48 =	vld [tilespmem:s5+$0x13D80]  }
0x1d4: {  	v39 =	vadd.f32 v44, v39;
	v37 =	vmul.f32 v49, v31;
	s5 =	rddreg [dreg:$0x1b];
	v53 =	vld [tilespmem:s4+$0x13D80]  }
0x1d5: {  	s6 =	sor.u32 $0xC50, s28;
	s14 =	sld [smem:$0x7E7];
	v41 =	vadd.f32 v63, v41;
	v63 =	vld [tilespmem:s5+$0x13D80];
	v60 =	vmul.f32 v54, v23;
	v42 =	vmul.f32 v52, v29  }
0x1d6: {  	s10 =	sld [smem:$0x7E5];
	v37 =	vadd.f32 v37, v56;
	v44 =	vmul.f32 v59, v27;
	v40 =	vmul.f32 v58, v28;
	v54 =	vld [tilespmem:s6+$0x13D80]  }
0x1d7: {  	v52 =	vld [tilespmem:s1+$0x13D80];
	s1 =	sld [smem:$0x7EB];
	v43 =	vmul.f32 v61, v19;
	v56 =	vmul.f32 v62, v20  }
0x1d8: {  	s24 =	sld [smem:$0x7E9];
	v48 =	vmul.f32 v48, v30;
	v38 =	vadd.f32 v60, v42;
	v37 =	vadd.f32 v40, v37;
	v60 =	vld [tilespmem:s14+$0x13D80]  }
0x1d9: {  	v59 =	vld [tilespmem:s10+$0x13D80];
	v58 =	vmul.f32 v53, v21;
	v43 =	vadd.f32 v56, v43  }
0x1da: {  	s8 =	rddreg [dreg:$0x18];
	v42 =	vmul.f32 v55, v34;
	v38 =	vadd.f32 v44, v38;
	v37 =	vadd.f32 v48, v37;
	v62 =	vld [tilespmem:s1+$0x13D80]  }
0x1db: {  	s4 =	sld [smem:$0x7EC];
	v40 =	vmul.f32 v54, v22;
	v61 =	vld [tilespmem:s24+$0x13D80];
	v43 =	vadd.f32 v58, v43  }
0x1dc: {  	s12 =	sld [smem:$0x7E6];
	v51 =	vld [tilespmem:s8+$0x13D80];
	[tilespmem:s30+$0x1BDA0] =	vst v37;
	v49 =	vadd.f32 v42, v38  }
0x1dd: {  	s15 =	sld [smem:$0x7E8];
	v45 =	vmul.f32 v52, v26;
	v52 =	vld [tilespmem:s29+$0x30];
	v53 =	vmul.f32 v60, v16;
	v40 =	vadd.f32 v40, v43  }
0x1de: {  	s7 =	sor.u32 $0xC70, s7;
	v46 =	vmul.f32 v57, v33;
	s6 =	rddreg [dreg:$0x1c];
	v50 =	vmul.f32 v59, v11;
	v57 =	vld [tilespmem:s29+$0x430];
	s24 =	smov.u32 s4;
	[tilespmem:s30+$0x1BE20] =	vst v49  }
0x1df: {  	v41 =	vadd.f32 v45, v41;
	s4 =	smov.u32 s6;
	s6 =	smov.u32 s7;
	s7 =	sld [smem:$0x7ED];
	v35 =	vadd.f32 v53, v35;
	v56 =	vmul.f32 v62, v15;
	v62 =	vld [tilespmem:s16+$0x30];
	[tilespmem:s30+$0x1BF50] =	vst v40  }
0x1e0: {  	v44 =	vmul.f32 v61, v14;
	v54 =	vld [tilespmem:s3+$0x60]  }
0x1e1: {  	s31 =	sld [smem:$0x7EA];
	v36 =	vadd.f32 v50, v36;
	v41 =	vadd.f32 v46, v41;
	[tilespmem:s17+$0x1BDE0] =	vst v35;
	v55 =	vld [tilespmem:s3+$0x460]  }
0x1e2: {  	s9 =	smov.u32 s12;
	s12 =	smov.u32 s15;
	s14 =	sor.u32 $0x860, s28;
	v48 =	vld [tilespmem:s7+$0x13D80];
	v39 =	vadd.f32 v44, v39  }
0x1e3: {  	s15 =	sor.u32 $0xC60, s28;
	s5 =	smov.u32 s11;
	s11 =	rddreg [dreg:$0x1a];
	v60 =	vmul.f32 v51, v4;
	[tilespmem:s30+$0x1BEA0] =	vst v41;
	v59 =	vadd.f32 v56, v36;
	v58 =	vld [tilespmem:s14+$0x13D80]  }
0x1e4: {  	v43 =	vmul.f32 v63, v3;
	[tilespmem:s17+$0x1BE60] =	vst v39;
	v63 =	vld [tilespmem:s15+$0x13D80];
	s15 =	sld [smem:$0x7F0]  }
0x1e5: {  	s8 =	sld [smem:$0x7EE];
	v17 =	vadd.f32 v60, v17;
	[tilespmem:s17+$0x1BEE0] =	vst v59;
	v44 =	vld [tilespmem:s16+$0x430]  }
0x1e6: {  	s10 =	smov.u32 s31;
	s31 =	rddreg [dreg:$0x19];
	v18 =	vadd.f32 v43, v18;
	v47 =	vld [tilespmem:s2+$0x30];
	v45 =	vmul.f32 v54, v19;
	v46 =	vmul.f32 v55, v20  }
0x1e7: {  	s1 =	smov.u32 s11;
	s11 =	sld [smem:$0x7EF];
	v61 =	vmul.f32 v52, v32;
	v3 =	vmov v14;
	v14 =	vmov v34;
	[tilespmem:s31+$0x1BEF0] =	vst v17;
	v53 =	vld [tilespmem:s15+$0x13D80]  }
0x1e8: {  	[tilespmem:s31+$0x1BE70] =	vst v18;
	v18 =	vmul.f32 v57, v31;
	v17 =	vld [tilespmem:s2+$0x430];
	v34 =	vmul.f32 v58, v21;
	v36 =	vadd.f32 v46, v45  }
0x1e9: {  	v4 =	vmov v15;
	v15 =	vmov v33;
	v33 =	vmul.f32 v48, v28;
	v50 =	vld [tilespmem:s8+$0x13D80]  }
0x1ea: {  	v52 =	vld [tilespmem:s11+$0x13D80];
	v18 =	vadd.f32 v18, v61;
	v51 =	vmul.f32 v63, v22;
	v34 =	vadd.f32 v34, v36  }
0x1eb: {  	s14 =	smov.u32 s17;
	s17 =	smov.u32 s30;
	s30 =	rddreg [dreg:$0x1f];
	v61 =	vld [tilespmem:s20+$0x70]  }
0x1ec: {  	s31 =	rddreg [dreg:$0x1d];
	v54 =	vld [tilespmem:s30+$0x13D80];
	v18 =	vadd.f32 v33, v18;
	v60 =	vmul.f32 v53, v30;
	v34 =	vadd.f32 v51, v34  }
0x1ed: {  	v55 =	vld [tilespmem:s31+$0x13D80]  }
0x1ee: {  	v49 =	vmul.f32 v62, v29;
	v63 =	vld [tilespmem:s20+$0x470];
	v35 =	vmul.f32 v44, v23;
	v18 =	vadd.f32 v60, v18;
	[tilespmem:s17+$0x1BF60] =	vst v34  }
0x1ef: {  	v38 =	vmul.f32 v47, v24;
	v17 =	vmul.f32 v17, v25;
	v57 =	vld [tilespmem:s3+$0x70]  }
0x1f0: {  	s20 =	smov.u32 s29;
	v56 =	vmul.f32 v50, v27;
	v35 =	vadd.f32 v35, v49;
	[tilespmem:s17+$0x1BDB0] =	vst v18;
	v59 =	vld [tilespmem:s3+$0x470]  }
0x1f1: {  	s7 =	sor.u32 $0x870, s28;
	v58 =	vmul.f32 v52, v26;
	v17 =	vadd.f32 v17, v38;
	v45 =	vld [tilespmem:s20+$0x40]  }
0x1f2: {  	v36 =	vmul.f32 v54, v14;
	v34 =	vadd.f32 v56, v35;
	v62 =	vld [tilespmem:s7+$0x13D80]  }
0x1f3: {  	s8 =	sor.u32 $0xC70, s28;
	v37 =	vmul.f32 v55, v15;
	v17 =	vadd.f32 v58, v17;
	v47 =	vld [tilespmem:s20+$0x440]  }
0x1f4: {  	s11 =	rddreg [dreg:$0x16];
	v44 =	vld [tilespmem:s8+$0x13D80];
	v34 =	vadd.f32 v36, v34  }
0x1f5: {  	v17 =	vadd.f32 v37, v17;
	v51 =	vld [tilespmem:s11+$0x13D80];
	v18 =	vmul.f32 v57, v19;
	v19 =	vmul.f32 v59, v20  }
0x1f6: {  	v20 =	vld [tilespmem:s22+$0x70];
	[tilespmem:s17+$0x1BE30] =	vst v34  }
0x1f7: {  	[tilespmem:s17+$0x1BEB0] =	vst v17;
	v48 =	vld [tilespmem:s16+$0x440];
	v17 =	vadd.f32 v19, v18;
	v18 =	vmul.f32 v62, v21  }
0x1f8: {  	s30 =	rddreg [dreg:$0x14];
	v46 =	vmul.f32 v61, v5;
	v19 =	vld [tilespmem:s16+$0x40];
	v21 =	vmul.f32 v63, v6  }
0x1f9: {  	v53 =	vld [tilespmem:s30+$0x13D80];
	v17 =	vadd.f32 v18, v17;
	v18 =	vmul.f32 v44, v22  }
0x1fa: {  	v5 =	vmov v32;
	v50 =	vld [tilespmem:s2+$0x440];
	v6 =	vmov v31;
	v49 =	vadd.f32 v21, v46  }
0x1fb: {  	s15 =	rddreg [dreg:$0x15];
	v22 =	vld [tilespmem:s2+$0x40];
	v21 =	vmul.f32 v45, v5;
	v17 =	vadd.f32 v18, v17;
	v18 =	vmul.f32 v47, v6  }
0x1fc: {  	s29 =	rddreg [dreg:$0x11];
	v52 =	vld [tilespmem:s15+$0x13D80];
	v20 =	vmul.f32 v20, v7;
	v7 =	vmov v29  }
0x1fd: {  	s3 =	rddreg [dreg:$0xd];
	v19 =	vmul.f32 v19, v7;
	[tilespmem:s17+$0x1BF70] =	vst v17;
	v17 =	vadd.f32 v18, v21;
	v18 =	vmul.f32 v48, v23;
	v21 =	vld [tilespmem:s29+$0x13D80]  }
0x1fe: {  	s31 =	rddreg [dreg:$0xf];
	v54 =	vld [tilespmem:s3+$0x13D80]  }
0x1ff: {  	v32 =	vmul.f32 v51, v28;
	v18 =	vadd.f32 v18, v19;
	v19 =	vld [tilespmem:s31+$0x13D80]  }
0x200: {  	s28 =	rddreg [dreg:$0x1e];
	v56 =	vld [tilespmem:s25+$0x70];
	v29 =	vmul.f32 v50, v25;
	v22 =	vmul.f32 v22, v24  }
0x201: {  	s30 =	rddreg [dreg:$0x10];
	v55 =	vld [tilespmem:s22+$0x470];
	v31 =	vmul.f32 v53, v30;
	v17 =	vadd.f32 v32, v17  }
0x202: {  	v57 =	vld [tilespmem:s25+$0x470];
	v34 =	vmul.f32 v52, v27;
	s29 =	rddreg [dreg:$0x7];
	v22 =	vadd.f32 v29, v22;
	v21 =	vmul.f32 v21, v26  }
0x203: {  	s7 =	rddreg [dreg:$0x9];
	v59 =	vld [tilespmem:s29+$0x13D80];
	v17 =	vadd.f32 v31, v17  }
0x204: {  	s31 =	rddreg [dreg:$0xa];
	v18 =	vadd.f32 v34, v18;
	v19 =	vmul.f32 v19, v14;
	v21 =	vadd.f32 v21, v22;
	v22 =	vld [tilespmem:s7+$0x13D80]  }
0x205: {  	v58 =	vmul.f32 v54, v15;
	s29 =	rddreg [dreg:$0x8];
	v60 =	vld [tilespmem:s31+$0x13D80];
	[tilespmem:s17+$0x1BDC0] =	vst v17  }
0x206: {  	s8 =	rddreg [dreg:$0x17];
	v18 =	vadd.f32 v19, v18;
	v19 =	vmul.f32 v55, v8;
	v8 =	vmov v23;
	v23 =	vld [tilespmem:s29+$0x13D80]  }
0x207: {  	s18 =	sadd.s32 $0x4, s18;
	s0 =	smov.u32 s30;
	s30 =	rddreg [dreg:$0xe];
	v62 =	vld [tilespmem:s20+$0x50];
	v17 =	vadd.f32 v58, v21  }
0x208: {  	p1 =	slt.u32 s18, $0x3C;
	s11 =	smov.u32 s16;
	s3 =	rddreg [dreg:$0x12];
	v61 =	vmul.f32 v56, v9;
	[tilespmem:s17+$0x1BE40] =	vst v18;
	v18 =	vadd.f32 v19, v20;
	v19 =	vmul.f32 v57, v10;
	v20 =	vld [tilespmem:s20+$0x450]  }
.Ltmp0:
0x209: {  	s25 =	rddreg [dreg:$0xc];
	[tilespmem:s17+$0x1BEC0] =	vst v17;
	v17 =	vmul.f32 v22, v12;
	v21 =	vld [tilespmem:s11+$0x50];
	(pc) =	sbr.rel @p1 .LBB2_3-.Ltmp0, $4  }
0x20a: {  	s22 =	rddreg [dreg:$0x13];
	s15 =	smov.u32 s2;
	v9 =	vmovc v24;
	v10 =	vmov v25;
	v25 =	vmul.f32 v59, v13;
	v24 =	vld [tilespmem:s11+$0x450];
	v19 =	vadd.f32 v19, v61  }
0x20b: {  	s16 =	rddreg [dreg:$0x4];
	v13 =	vmovc v27;
	v22 =	vld [tilespmem:s15+$0x50];
	v27 =	vadd.f32 v17, v49;
	v17 =	vmul.f32 v60, v11;
	v63 =	vmul.f32 v23, v16  }
0x20c: {  	p0 =	por !p0, !p0;
	s31 =	rddreg [dreg:$0xb];
	v12 =	vmovc v28;
	v18 =	vadd.f32 v25, v18;
	v25 =	vmul.f32 v62, v5;
	v11 =	vmov v26;
	v23 =	vld [tilespmem:s15+$0x450]  }
0x20d: {  	s7 =	smov.u32 s8;
	s8 =	smov.u32 s3;
	s3 =	smov.u32 s30;
	v16 =	vmovc v30;
	v17 =	vadd.f32 v17, v19;
	v26 =	vmul.f32 v20, v6;
	v20 =	vld [tilespmem:s31+$0x13D80];
	v19 =	vadd.f32 v63, v27  }
0x20e: {  	_ = 	snop  }
0x20f: {  	v28 =	vld [tilespmem:s28+$0x13D80];
	_ =	sdelay $0x1  }
0x210: {  	v27 =	vld [tilespmem:s26+$0x13D80]  }
0x211: {  	v29 =	vld [tilespmem:s22+$0x13D80];
	v25 =	vadd.f32 v26, v25;
	v20 =	vmul.f32 v20, v12  }
0x212: {  	v21 =	vmul.f32 v21, v7;
	v51 =	vld [tilespmem:s25+$0x13D80];
	v24 =	vmul.f32 v24, v8  }
0x213: {  	s2 =	rddreg [dreg:$0x5];
	v53 =	vmul.f32 v28, v16;
	v20 =	vadd.f32 v20, v25  }
0x214: {  	v54 =	vld [tilespmem:s2+$0x13D80];
	v22 =	vmul.f32 v22, v9;
	v21 =	vadd.f32 v24, v21  }
0x215: {  	v23 =	vmul.f32 v23, v10;
	v52 =	vmul.f32 v27, v13;
	v20 =	vadd.f32 v53, v20  }
0x216: {  	v55 =	vmul.f32 v29, v14  }
0x217: {  	v22 =	vadd.f32 v23, v22;
	v56 =	vmul.f32 v51, v11;
	v21 =	vadd.f32 v52, v21;
	[tilespmem:s17+$0x1BDD0] =	vst v20  }
0x218: {  	v58 =	vld [tilespmem:s20+$0x60]  }
0x219: {  	v57 =	vmul.f32 v54, v15;
	v22 =	vadd.f32 v56, v22;
	v21 =	vadd.f32 v55, v21;
	v59 =	vld [tilespmem:s20+$0x460]  }
0x21a: {  	s28 =	rddreg [dreg:$0x6];
	v63 =	vld [tilespmem:s12+$0x13D80]  }
0x21b: {  	v22 =	vadd.f32 v57, v22;
	[tilespmem:s17+$0x1BE50] =	vst v21;
	v20 =	vld [tilespmem:s28+$0x13D80]  }
0x21c: {  	v60 =	vld [tilespmem:s11+$0x60]  }
0x21d: {  	[tilespmem:s17+$0x1BED0] =	vst v22;
	v61 =	vld [tilespmem:s11+$0x460]  }
0x21e: {  	v22 =	vld [tilespmem:s15+$0x60]  }
0x21f: {  	v62 =	vld [tilespmem:s15+$0x460];
	v24 =	vmul.f32 v58, v5;
	v25 =	vmul.f32 v59, v6  }
0x220: {  	v21 =	vld [tilespmem:s13+$0x13D80]  }
0x221: {  	v33 =	vld [tilespmem:s9+$0x13D80];
	v20 =	vmul.f32 v20, v12;
	v24 =	vadd.f32 v25, v24  }
0x222: {  	v30 =	vld [tilespmem:s10+$0x13D80];
	v36 =	vmul.f32 v63, v16  }
0x223: {  	v23 =	vmul.f32 v60, v7;
	v26 =	vmul.f32 v61, v8;
	v20 =	vadd.f32 v20, v24  }
0x224: {  	v34 =	vld [tilespmem:s24+$0x13D80];
	v22 =	vmul.f32 v22, v9;
	v35 =	vmul.f32 v62, v10  }
0x225: {  	v21 =	vmul.f32 v21, v13;
	v23 =	vadd.f32 v26, v23;
	v20 =	vadd.f32 v36, v20  }
0x226: {  	v39 =	vld [tilespmem:s4+$0x13D80];
	v37 =	vmul.f32 v33, v11  }
0x227: {  	v40 =	vld [tilespmem:s1+$0x13D80];
	v38 =	vmul.f32 v30, v14;
	v22 =	vadd.f32 v35, v22;
	v21 =	vadd.f32 v21, v23;
	[tilespmem:s17+$0x1BDE0] =	vst v20  }
0x228: {  	v20 =	vld [tilespmem:s20+$0x70]  }
0x229: {  	v41 =	vmul.f32 v34, v15;
	v22 =	vadd.f32 v37, v22;
	v21 =	vadd.f32 v38, v21;
	v42 =	vld [tilespmem:s20+$0x470]  }
0x22a: {  	v45 =	vld [tilespmem:s7+$0x13D80]  }
0x22b: {  	v22 =	vadd.f32 v41, v22;
	[tilespmem:s17+$0x1BE60] =	vst v21;
	v48 =	vld [tilespmem:s3+$0x13D80]  }
0x22c: {  	v21 =	vld [tilespmem:s11+$0x70]  }
0x22d: {  	[tilespmem:s17+$0x1BEE0] =	vst v22;
	v43 =	vld [tilespmem:s11+$0x470]  }
0x22e: {  	v22 =	vld [tilespmem:s15+$0x70]  }
0x22f: {  	v44 =	vld [tilespmem:s15+$0x470]  }
0x230: {  	v3 =	vmul.f32 v39, v3;
	v46 =	vld [tilespmem:s0+$0x13D80]  }
0x231: {  	v4 =	vmul.f32 v40, v4;
	v47 =	vld [tilespmem:s8+$0x13D80];
	v49 =	vmul.f32 v20, v5  }
0x232: {  	v51 =	vld [tilespmem:s5+$0x13D80];
	v50 =	vmul.f32 v42, v6;
	v57 =	vmul.f32 v45, v12  }
0x233: {  	v3 =	vadd.f32 v3, v18;
	v54 =	vld [tilespmem:s6+$0x13D80];
	v52 =	vmul.f32 v21, v7;
	v53 =	vmul.f32 v43, v8  }
0x234: {  	v55 =	vmul.f32 v22, v9;
	v56 =	vmul.f32 v44, v10;
	v5 =	vadd.f32 v50, v49  }
0x235: {  	v60 =	vmul.f32 v48, v16;
	v58 =	vmul.f32 v46, v13;
	v7 =	vadd.f32 v53, v52  }
0x236: {  	v59 =	vmul.f32 v47, v11;
	v9 =	vadd.f32 v56, v55;
	v5 =	vadd.f32 v57, v5  }
0x237: {  	v4 =	vadd.f32 v4, v17;
	[tilespmem:s14+$0x1BDF0] =	vst v19;
	v61 =	vmul.f32 v51, v14;
	v7 =	vadd.f32 v58, v7  }
0x238: {  	[tilespmem:s14+$0x1BE70] =	vst v3;
	v62 =	vmul.f32 v54, v15;
	v3 =	vadd.f32 v59, v9;
	v5 =	vadd.f32 v60, v5  }
0x239: {  	[tilespmem:s14+$0x1BEF0] =	vst v4;
	v63 =	vadd.f32 v61, v7  }
0x23a: {  	v3 =	vadd.f32 v62, v3;
	[tilespmem:s17+$0x1BDF0] =	vst v5  }
0x23b: {  	s29 =	rddreg [dreg:$0x2];
	s30 =	simm.s32 $0x1BD80;
	[tilespmem:s17+$0x1BE70] =	vst v63  }
0x23c: {  	s2 =	simm.s32 $0x1;
	s7 =	simm.s32 $0x40;
	s6 =	simm.s32 $0x13C80;
	[tilespmem:s17+$0x1BEF0] =	vst v3  }
0x23d: {  	[spmem:s29] =	stream.indirect.scatter.add.f32 [tilespmem:s30], [sflag:$0x1], $0x80, s6, s7, $0xb8;
	[tilespmem:$0x1FD80] =	vst v63  }
0x23e: {  	_ =	swait.ge [sflag:s2], $0x2000  }
0x23f: {  	s31 =	sld [smem:$0x7F1];
	_ =	sdelay $0x2  }
0x240: {  	s0 =	sadd.s32 $0x1, s31  }
0x241: {  	p0 =	sne.s32 s0, $0x9D  }
.Ltmp1:
0x242: {  	_ = 	snop;
	(pc) =	sbr.rel @p0 .LBB2_2-.Ltmp1, $3  }
0x243: {  	_ =	sdelay $0x1  }
0x244: {  	[sflag:s2] =	ssyncset.done $0x0  }
0x245: {  	[sflag:s2] =	ssyncadd.s32 $0xFFFFE000  }
0x246: {  	[bflag:$0x0] =	sbarrier.arrive $0xFFFF  }
0x247: {  	s4 =	sld [smem:$0x7FC]  }
0x248: {  	s0 =	sld [smem:$0x7FA]  }
0x249: {  	s1 =	sld [smem:$0x7FD];
	_ =	sdelay $0x2  }
0x24a: {  	[hbm:s0], [sflag:s4] =	dma.local [spmem:s1], $0x2780  }
0x24b: {  	_ =	swait.ge [sflag:s2], $0x2780  }
0x24c: {  	s9 =	sld [smem:$0x7F2]  }
0x24d: {  	s31 =	sld [smem:$0x7FB];
	_ =	sdelay $0x1  }
0x24e: {  	s9 =	sadd.s32 $0x1, s9  }
0x24f: {  	p0 =	sne.s32 s9, s31  }
.Ltmp2:
0x250: {  	_ = 	snop;
	(pc) =	sbr.rel @p0 .LBB2_1-.Ltmp2, $3  }
0x251: {  	_ =	sdelay $0x1  }
0x252: {  	[sflag:s2] =	ssyncset.done $0x0  }
0x253: {  	[sflag:s2] =	ssyncadd.s32 $0xFFFFD880  }
0x254: {  	_ =	sfence.sel $0x180000  }
0x255: {  	[bflag:$0x0] =	sbarrier.arrive $0xFFFF  }
0x256: {  	_ =	strace $0x90000047  }
0x257: {  	s0 =	stileid.u32;
	[bflag:$0x2] =	sbarrier.arrive $0xFFFF  }
0x258: {  	p0 =	sne.s32 s0, $0x0;
	s0 =	rddreg [dreg:$0x3]  }
0x259: {  	s0 =	sadd.s32 @!p0 $0x100000, s0  }
0x25a: {  	[sflag:s0] =	ssyncadd.tile.s32 @!p0 $0x1;
	_ =	shalt  }
.Lfunc_end2:
_tile_overlayer_lowered:
.L_overlay_start_2:
0x25b: {  	(tag) =	ssettag $0x2  }
0x25c: {  	s0 =	rddreg [dreg:$0x0];
	s2 =	stileid.u32  }
0x25d: {  	s1 =	rddreg [dreg:$0x1];
	p0 =	sne.s32 s2, $0x0  }
0x25e: {  	s3 =	rddreg [dreg:$0x2];
	[bflag:$0x3] =	sbarrier.arrive $0xFFFF;
	s2 =	simm.s32 @!p0 $0x1C01  }
0x25f: {  	[timem:s3], [sflag:s2] =	dma.local @!p0 [hbm:s0], s1  }
0x260: {  	s0 =	simm.s32 @!p0 $0x1  }
0x261: {  	_ =	swait.ge @!p0 [sflag:s0], s1  }
0x262: {  	s1 =	ssub.s32 @!p0 $0x0, s1;
	[sflag:s0] =	ssyncset.done @!p0 $0x0  }
0x263: {  	[sflag:s0] =	ssyncadd.s32 @!p0 s1  }
0x264: {  	[bflag:$0x3] =	sbarrier.arrive $0xFFFF  }
0x265: {  	_ =	shalt  }

</sc_bundles>
